<compile_context>
chip_gen: v7x
topology: tpu7x:2x2x1
jax: 0.10.2.dev20260603
libtpu: 0.0.44.dev20260713+nightly
codegen_flags: <defaults>
</compile_context>

<pallas_src>
import functools

import jax
import jax.numpy as jnp
import numpy as np
from jax import lax
from jax.experimental import pallas as pl
from jax.experimental.pallas import tpu as pltpu
from jax.experimental.pallas import tpu_sc as plsc

VOCAB = 50257
EMB = 64
NEUR = 1024
K = 50
ROWS_BLK = 256
IDX_CHUNK = 128

_MIN32 = np.int32(-2**31)
_MAX32 = np.int32(2**31 - 1)


def _sc_gather(table, ids2d):
    n_chunks = ids2d.shape[0]
    info = plsc.get_sparse_core_info()
    nc, ns = info.num_cores, info.num_subcores
    nw = nc * ns
    chunks_per_w = n_chunks // nw

    def body(tbl_hbm, idx_hbm, out_hbm, idx_v, row_v, sem):
        wid = lax.axis_index("s") * nc + lax.axis_index("c")
        base = wid * chunks_per_w
        pltpu.sync_copy(idx_hbm.at[pl.ds(base, chunks_per_w)], idx_v)
        for j in range(chunks_per_w):
            pltpu.async_copy(tbl_hbm.at[idx_v.at[j]], row_v, sem).wait()
            pltpu.sync_copy(
                row_v, out_hbm.at[pl.ds((base + j) * IDX_CHUNK, IDX_CHUNK)])

    mesh = plsc.VectorSubcoreMesh(core_axis_name="c", subcore_axis_name="s")
    return pl.kernel(
        body,
        out_type=jax.ShapeDtypeStruct((n_chunks * IDX_CHUNK, EMB), jnp.float32),
        mesh=mesh,
        compiler_params=pltpu.CompilerParams(use_tc_tiling_on_sc=False),
        scratch_types=[
            pltpu.VMEM((chunks_per_w, IDX_CHUNK), jnp.int32),
            pltpu.VMEM((IDX_CHUNK, EMB), jnp.float32),
            pltpu.SemaphoreType.DMA,
        ],
    )(table, ids2d)


def _tc_body(x_ref, w1_ref, b1_ref, w2_ref, b2_ref, o_ref):
    x = x_ref[...]
    h = jnp.dot(x, w1_ref[...],
                preferred_element_type=jnp.float32) + b1_ref[...]
    h = 0.5 * h * (1.0 + lax.erf(h * np.float32(1.0 / np.sqrt(2.0))))
    logits = jnp.dot(h, w2_ref[...],
                     preferred_element_type=jnp.float32) + b2_ref[...]

    bits = lax.bitcast_convert_type(logits, jnp.int32)
    key = jnp.where(bits < 0, bits ^ _MAX32, bits)

    t = jnp.zeros((logits.shape[0], 1), jnp.int32)
    for bit in range(31, -1, -1):
        bv = _MIN32 if bit == 31 else np.int32(1 << bit)
        cand = t | bv
        cnt = jnp.sum((key >= (cand ^ _MIN32)).astype(jnp.int32), axis=1,
                      keepdims=True)
        t = jnp.where(cnt >= K, cand, t)
    thr = t ^ _MIN32
    o_ref[...] = (key >= thr).astype(jnp.float32)


def _tc_fused(emb, W1, b1, W2, b2):
    n_rows = emb.shape[0]
    grid = (n_rows // ROWS_BLK,)
    return pl.pallas_call(
        _tc_body,
        grid=grid,
        in_specs=[
            pl.BlockSpec((ROWS_BLK, EMB), lambda i: (i, 0)),
            pl.BlockSpec((EMB, 2 * NEUR), lambda i: (0, 0)),
            pl.BlockSpec((1, 2 * NEUR), lambda i: (0, 0)),
            pl.BlockSpec((2 * NEUR, NEUR), lambda i: (0, 0)),
            pl.BlockSpec((1, NEUR), lambda i: (0, 0)),
        ],
        out_specs=pl.BlockSpec((ROWS_BLK, NEUR), lambda i: (i, 0)),
        out_shape=jax.ShapeDtypeStruct((n_rows, NEUR), jnp.float32),
    )(emb, W1, b1, W2, b2)


def kernel(token_ids, W_emb, W1, b1, W2, b2):
    B, S = token_ids.shape
    ids2d = token_ids.reshape(-1, IDX_CHUNK).astype(jnp.int32)
    emb = _sc_gather(W_emb, ids2d)
    mask = _tc_fused(emb, W1, b1.reshape(1, -1), W2, b2.reshape(1, -1))
    return mask.reshape(B, S, NEUR)

# --- scband reference (transcript-rebuilt; emitter-appended) ---
"""Pipeline reference for scband-sparse-distributed-representation-29918742184259 (READ-ONLY COPY).

The authoritative reference and input builder live on the scoring server;
editing this copy changes nothing except your own understanding.
"""

import jax, jax.numpy as jnp
import numpy as np

VOCAB = 50257
EMB = 64
NEUR = 1024
K = 50
B, S = 4, 8192

def setup_inputs(seed: int = 0) -> dict:
    key = jax.random.key(seed)
    k1, k2, k3, k4, k5, k6 = jax.random.split(key, 6)
    token_ids = jax.random.randint(k1, (B, S), 0, VOCAB)
    W_emb = jax.random.normal(k2, (VOCAB, EMB), dtype=jnp.float32) * 0.02
    W1 = jax.random.normal(k3, (EMB, NEUR * 2), dtype=jnp.float32) * (1.0 / np.sqrt(EMB))
    b1 = jnp.zeros((NEUR * 2,), dtype=jnp.float32)
    W2 = jax.random.normal(k4, (NEUR * 2, NEUR), dtype=jnp.float32) * (1.0 / np.sqrt(NEUR * 2))
    b2 = jnp.zeros((NEUR,), dtype=jnp.float32)
    return {"token_ids": token_ids, "W_emb": W_emb, "W1": W1, "b1": b1, "W2": W2, "b2": b2}

def reference(token_ids, W_emb, W1, b1, W2, b2):
    # learned-embedding path of SparseDistributedRepresentation.forward (use_learned=True)
    emb = jnp.take(W_emb, token_ids, axis=0)                 # [B, S, EMB] embedding gather
    h = jax.nn.gelu(emb @ W1 + b1, approximate=False)        # Linear + GELU (torch exact gelu)
    logits = h @ W2 + b2                                     # [B, S, NEUR]
    topk_vals, topk_idx = jax.lax.top_k(logits, K)           # [B, S, K]
    Bd, Sd, n = logits.shape
    rows = Bd * Sd
    flat_idx = (jnp.arange(rows)[:, None] * n + topk_idx.reshape(rows, K)).reshape(-1)
    ones_vals = jnp.ones_like(topk_vals).reshape(-1)
    sdr = jnp.zeros(rows * n, dtype=logits.dtype).at[flat_idx].set(ones_vals)
    return sdr.reshape(Bd, Sd, n)

if __name__ == "__main__":
    import jax
    _d = setup_inputs()
    print(jax.jit(kernel)(*tuple(_d.values())))

</pallas_src>

<mosaic_0001>
#map = affine_map<(d0, d1) -> (0, 0)>
module attributes {stable_mosaic.version = 14 : i64} {
  func.func @body(%arg0: i32, %arg1: i32, %arg2: memref<50257x64xf32, #tpu.memory_space<hbm>>, %arg3: memref<256x128xi32, #tpu.memory_space<hbm>>, %arg4: memref<32768x64xf32, #tpu.memory_space<hbm>>, %arg5: memref<8x128xi32, #tpu.memory_space<vmem>>, %arg6: memref<128x64xf32, #tpu.memory_space<vmem>>, %arg7: memref<!tpu.dma_semaphore, #tpu.memory_space<semaphore_mem>>) attributes {dimension_semantics = [#tpu.dimension_semantics<core_parallel>, #tpu.dimension_semantics<subcore_parallel>], iteration_bounds = array<i64: 2, 16>, scalar_prefetch = 0 : i64, scratch_operands = 3 : i64, tpu.core_type = #tpu.core_type<sc_vector_subcore>, window_params = [{transform_indices = #map}, {transform_indices = #map}, {transform_indices = #map}]} {
    %mul3A = arith.constant 2 : i32
    %mul3A_0 = arith.muli %arg1, %mul3A : i32
    %add3A = arith.addi %mul3A_0, %arg0 : i32
    %mul3A_1 = arith.constant 8 : i32
    %mul3A_2 = arith.muli %add3A, %mul3A_1 : i32
    "tpu.region"() ({
      %run_scoped3A = tpu.sem_alloc : memref<!tpu.dma_semaphore, #tpu.memory_space<semaphore_mem>>
      %dma_start3A_145 = arith.constant 0 : i32
      %dma_start3A_146 = tpu.memref_slice %arg3[%mul3A_2, %dma_start3A_145] : memref<256x128xi32, #tpu.memory_space<hbm>> -> memref<8x128xi32, #tpu.memory_space<hbm>>
      %dma_start3A_147 = arith.constant 0 : i32
      %dma_start3A_148 = tpu.memref_slice %arg3[%mul3A_2, %dma_start3A_147] : memref<256x128xi32, #tpu.memory_space<hbm>> -> memref<8x128xi32, #tpu.memory_space<hbm>>
      tpu.enqueue_dma source(%dma_start3A_148 : memref<8x128xi32, #tpu.memory_space<hbm>>) target(%arg5 : memref<8x128xi32, #tpu.memory_space<vmem>>) target_semaphore(%run_scoped3A : memref<!tpu.dma_semaphore, #tpu.memory_space<semaphore_mem>>)
      %dma_wait3A_149 = arith.constant 0 : i32
      %dma_wait3A_150 = tpu.memref_slice %arg3[%mul3A_2, %dma_wait3A_149] : memref<256x128xi32, #tpu.memory_space<hbm>> -> memref<8x128xi32, #tpu.memory_space<hbm>>
      %dma_wait3A_151 = arith.constant 0 : i32
      %dma_wait3A_152 = tpu.memref_slice %arg3[%mul3A_2, %dma_wait3A_151] : memref<256x128xi32, #tpu.memory_space<hbm>> -> memref<8x128xi32, #tpu.memory_space<hbm>>
      tpu.wait_dma2 semaphore(%run_scoped3A : memref<!tpu.dma_semaphore, #tpu.memory_space<semaphore_mem>>) src(%dma_wait3A_152 : memref<8x128xi32, #tpu.memory_space<hbm>>) dst(%arg5 : memref<8x128xi32, #tpu.memory_space<vmem>>)
      tpu.yield
    }) : () -> ()
    %dma_start3A = arith.constant 0 : i32
    %dma_start3A_3 = arith.constant 0 : i32
    %dma_start3A_4 = tpu.memref_slice %arg5[%dma_start3A, %dma_start3A_3] : memref<8x128xi32, #tpu.memory_space<vmem>> -> memref<1x128xi32, #tpu.memory_space<vmem>>
    %dma_start3A_5 = tpu.memref_squeeze %dma_start3A_4 : memref<1x128xi32, #tpu.memory_space<vmem>> -> memref<128xi32, #tpu.memory_space<vmem>>
    %dma_start3A_6 = arith.constant 0 : i32
    %dma_start3A_7 = arith.constant 0 : i32
    %dma_start3A_8 = tpu.memref_slice %arg2[%dma_start3A_6, %dma_start3A_7] : memref<50257x64xf32, #tpu.memory_space<hbm>> -> memref<50257x64xf32, #tpu.memory_space<hbm>>
    tpu.enqueue_indirect_dma source(%dma_start3A_8 : memref<50257x64xf32, #tpu.memory_space<hbm>>) target(%arg6 : memref<128x64xf32, #tpu.memory_space<vmem>>) offsets(%dma_start3A_5 : memref<128xi32, #tpu.memory_space<vmem>>) semaphore(%arg7 : memref<!tpu.dma_semaphore, #tpu.memory_space<semaphore_mem>>)
    %dma_wait3A = arith.constant 0 : i32
    %dma_wait3A_9 = arith.constant 0 : i32
    %dma_wait3A_10 = tpu.memref_slice %arg5[%dma_wait3A, %dma_wait3A_9] : memref<8x128xi32, #tpu.memory_space<vmem>> -> memref<1x128xi32, #tpu.memory_space<vmem>>
    %dma_wait3A_11 = tpu.memref_squeeze %dma_wait3A_10 : memref<1x128xi32, #tpu.memory_space<vmem>> -> memref<128xi32, #tpu.memory_space<vmem>>
    %dma_wait3A_12 = arith.constant 0 : i32
    %dma_wait3A_13 = arith.constant 0 : i32
    %dma_wait3A_14 = tpu.memref_slice %arg2[%dma_wait3A_12, %dma_wait3A_13] : memref<50257x64xf32, #tpu.memory_space<hbm>> -> memref<50257x64xf32, #tpu.memory_space<hbm>>
    tpu.wait_indirect_dma semaphore(%arg7 : memref<!tpu.dma_semaphore, #tpu.memory_space<semaphore_mem>>) src(%dma_wait3A_14 : memref<50257x64xf32, #tpu.memory_space<hbm>>) dst(%arg6 : memref<128x64xf32, #tpu.memory_space<vmem>>)
    %add3A_15 = arith.constant 0 : i32
    %add3A_16 = arith.addi %mul3A_2, %add3A_15 : i32
    %mul3A_17 = arith.constant 128 : i32
    %mul3A_18 = arith.muli %add3A_16, %mul3A_17 : i32
    "tpu.region"() ({
      %run_scoped3A = tpu.sem_alloc : memref<!tpu.dma_semaphore, #tpu.memory_space<semaphore_mem>>
      %dma_start3A_145 = arith.constant 0 : i32
      %dma_start3A_146 = tpu.memref_slice %arg4[%mul3A_18, %dma_start3A_145] : memref<32768x64xf32, #tpu.memory_space<hbm>> -> memref<128x64xf32, #tpu.memory_space<hbm>>
      %dma_start3A_147 = arith.constant 0 : i32
      %dma_start3A_148 = tpu.memref_slice %arg4[%mul3A_18, %dma_start3A_147] : memref<32768x64xf32, #tpu.memory_space<hbm>> -> memref<128x64xf32, #tpu.memory_space<hbm>>
      tpu.enqueue_dma source(%arg6 : memref<128x64xf32, #tpu.memory_space<vmem>>) target(%dma_start3A_148 : memref<128x64xf32, #tpu.memory_space<hbm>>) target_semaphore(%run_scoped3A : memref<!tpu.dma_semaphore, #tpu.memory_space<semaphore_mem>>)
      %dma_wait3A_149 = arith.constant 0 : i32
      %dma_wait3A_150 = tpu.memref_slice %arg4[%mul3A_18, %dma_wait3A_149] : memref<32768x64xf32, #tpu.memory_space<hbm>> -> memref<128x64xf32, #tpu.memory_space<hbm>>
      %dma_wait3A_151 = arith.constant 0 : i32
      %dma_wait3A_152 = tpu.memref_slice %arg4[%mul3A_18, %dma_wait3A_151] : memref<32768x64xf32, #tpu.memory_space<hbm>> -> memref<128x64xf32, #tpu.memory_space<hbm>>
      tpu.wait_dma2 semaphore(%run_scoped3A : memref<!tpu.dma_semaphore, #tpu.memory_space<semaphore_mem>>) src(%arg6 : memref<128x64xf32, #tpu.memory_space<vmem>>) dst(%dma_wait3A_152 : memref<128x64xf32, #tpu.memory_space<hbm>>)
      tpu.yield
    }) : () -> ()
    %dma_start3A_19 = arith.constant 1 : i32
    %dma_start3A_20 = arith.constant 0 : i32
    %dma_start3A_21 = tpu.memref_slice %arg5[%dma_start3A_19, %dma_start3A_20] : memref<8x128xi32, #tpu.memory_space<vmem>> -> memref<1x128xi32, #tpu.memory_space<vmem>>
    %dma_start3A_22 = tpu.memref_squeeze %dma_start3A_21 : memref<1x128xi32, #tpu.memory_space<vmem>> -> memref<128xi32, #tpu.memory_space<vmem>>
    %dma_start3A_23 = arith.constant 0 : i32
    %dma_start3A_24 = arith.constant 0 : i32
    %dma_start3A_25 = tpu.memref_slice %arg2[%dma_start3A_23, %dma_start3A_24] : memref<50257x64xf32, #tpu.memory_space<hbm>> -> memref<50257x64xf32, #tpu.memory_space<hbm>>
    tpu.enqueue_indirect_dma source(%dma_start3A_25 : memref<50257x64xf32, #tpu.memory_space<hbm>>) target(%arg6 : memref<128x64xf32, #tpu.memory_space<vmem>>) offsets(%dma_start3A_22 : memref<128xi32, #tpu.memory_space<vmem>>) semaphore(%arg7 : memref<!tpu.dma_semaphore, #tpu.memory_space<semaphore_mem>>)
    %dma_wait3A_26 = arith.constant 1 : i32
    %dma_wait3A_27 = arith.constant 0 : i32
    %dma_wait3A_28 = tpu.memref_slice %arg5[%dma_wait3A_26, %dma_wait3A_27] : memref<8x128xi32, #tpu.memory_space<vmem>> -> memref<1x128xi32, #tpu.memory_space<vmem>>
    %dma_wait3A_29 = tpu.memref_squeeze %dma_wait3A_28 : memref<1x128xi32, #tpu.memory_space<vmem>> -> memref<128xi32, #tpu.memory_space<vmem>>
    %dma_wait3A_30 = arith.constant 0 : i32
    %dma_wait3A_31 = arith.constant 0 : i32
    %dma_wait3A_32 = tpu.memref_slice %arg2[%dma_wait3A_30, %dma_wait3A_31] : memref<50257x64xf32, #tpu.memory_space<hbm>> -> memref<50257x64xf32, #tpu.memory_space<hbm>>
    tpu.wait_indirect_dma semaphore(%arg7 : memref<!tpu.dma_semaphore, #tpu.memory_space<semaphore_mem>>) src(%dma_wait3A_32 : memref<50257x64xf32, #tpu.memory_space<hbm>>) dst(%arg6 : memref<128x64xf32, #tpu.memory_space<vmem>>)
    %add3A_33 = arith.constant 1 : i32
    %add3A_34 = arith.addi %mul3A_2, %add3A_33 : i32
    %mul3A_35 = arith.constant 128 : i32
    %mul3A_36 = arith.muli %add3A_34, %mul3A_35 : i32
    "tpu.region"() ({
      %run_scoped3A = tpu.sem_alloc : memref<!tpu.dma_semaphore, #tpu.memory_space<semaphore_mem>>
      %dma_start3A_145 = arith.constant 0 : i32
      %dma_start3A_146 = tpu.memref_slice %arg4[%mul3A_36, %dma_start3A_145] : memref<32768x64xf32, #tpu.memory_space<hbm>> -> memref<128x64xf32, #tpu.memory_space<hbm>>
      %dma_start3A_147 = arith.constant 0 : i32
      %dma_start3A_148 = tpu.memref_slice %arg4[%mul3A_36, %dma_start3A_147] : memref<32768x64xf32, #tpu.memory_space<hbm>> -> memref<128x64xf32, #tpu.memory_space<hbm>>
      tpu.enqueue_dma source(%arg6 : memref<128x64xf32, #tpu.memory_space<vmem>>) target(%dma_start3A_148 : memref<128x64xf32, #tpu.memory_space<hbm>>) target_semaphore(%run_scoped3A : memref<!tpu.dma_semaphore, #tpu.memory_space<semaphore_mem>>)
      %dma_wait3A_149 = arith.constant 0 : i32
      %dma_wait3A_150 = tpu.memref_slice %arg4[%mul3A_36, %dma_wait3A_149] : memref<32768x64xf32, #tpu.memory_space<hbm>> -> memref<128x64xf32, #tpu.memory_space<hbm>>
      %dma_wait3A_151 = arith.constant 0 : i32
      %dma_wait3A_152 = tpu.memref_slice %arg4[%mul3A_36, %dma_wait3A_151] : memref<32768x64xf32, #tpu.memory_space<hbm>> -> memref<128x64xf32, #tpu.memory_space<hbm>>
      tpu.wait_dma2 semaphore(%run_scoped3A : memref<!tpu.dma_semaphore, #tpu.memory_space<semaphore_mem>>) src(%arg6 : memref<128x64xf32, #tpu.memory_space<vmem>>) dst(%dma_wait3A_152 : memref<128x64xf32, #tpu.memory_space<hbm>>)
      tpu.yield
    }) : () -> ()
    %dma_start3A_37 = arith.constant 2 : i32
    %dma_start3A_38 = arith.constant 0 : i32
    %dma_start3A_39 = tpu.memref_slice %arg5[%dma_start3A_37, %dma_start3A_38] : memref<8x128xi32, #tpu.memory_space<vmem>> -> memref<1x128xi32, #tpu.memory_space<vmem>>
    %dma_start3A_40 = tpu.memref_squeeze %dma_start3A_39 : memref<1x128xi32, #tpu.memory_space<vmem>> -> memref<128xi32, #tpu.memory_space<vmem>>
    %dma_start3A_41 = arith.constant 0 : i32
    %dma_start3A_42 = arith.constant 0 : i32
    %dma_start3A_43 = tpu.memref_slice %arg2[%dma_start3A_41, %dma_start3A_42] : memref<50257x64xf32, #tpu.memory_space<hbm>> -> memref<50257x64xf32, #tpu.memory_space<hbm>>
    tpu.enqueue_indirect_dma source(%dma_start3A_43 : memref<50257x64xf32, #tpu.memory_space<hbm>>) target(%arg6 : memref<128x64xf32, #tpu.memory_space<vmem>>) offsets(%dma_start3A_40 : memref<128xi32, #tpu.memory_space<vmem>>) semaphore(%arg7 : memref<!tpu.dma_semaphore, #tpu.memory_space<semaphore_mem>>)
    %dma_wait3A_44 = arith.constant 2 : i32
    %dma_wait3A_45 = arith.constant 0 : i32
    %dma_wait3A_46 = tpu.memref_slice %arg5[%dma_wait3A_44, %dma_wait3A_45] : memref<8x128xi32, #tpu.memory_space<vmem>> -> memref<1x128xi32, #tpu.memory_space<vmem>>
    %dma_wait3A_47 = tpu.memref_squeeze %dma_wait3A_46 : memref<1x128xi32, #tpu.memory_space<vmem>> -> memref<128xi32, #tpu.memory_space<vmem>>
    %dma_wait3A_48 = arith.constant 0 : i32
    %dma_wait3A_49 = arith.constant 0 : i32
    %dma_wait3A_50 = tpu.memref_slice %arg2[%dma_wait3A_48, %dma_wait3A_49] : memref<50257x64xf32, #tpu.memory_space<hbm>> -> memref<50257x64xf32, #tpu.memory_space<hbm>>
    tpu.wait_indirect_dma semaphore(%arg7 : memref<!tpu.dma_semaphore, #tpu.memory_space<semaphore_mem>>) src(%dma_wait3A_50 : memref<50257x64xf32, #tpu.memory_space<hbm>>) dst(%arg6 : memref<128x64xf32, #tpu.memory_space<vmem>>)
    %add3A_51 = arith.constant 2 : i32
    %add3A_52 = arith.addi %mul3A_2, %add3A_51 : i32
    %mul3A_53 = arith.constant 128 : i32
    %mul3A_54 = arith.muli %add3A_52, %mul3A_53 : i32
    "tpu.region"() ({
      %run_scoped3A = tpu.sem_alloc : memref<!tpu.dma_semaphore, #tpu.memory_space<semaphore_mem>>
      %dma_start3A_145 = arith.constant 0 : i32
      %dma_start3A_146 = tpu.memref_slice %arg4[%mul3A_54, %dma_start3A_145] : memref<32768x64xf32, #tpu.memory_space<hbm>> -> memref<128x64xf32, #tpu.memory_space<hbm>>
      %dma_start3A_147 = arith.constant 0 : i32
      %dma_start3A_148 = tpu.memref_slice %arg4[%mul3A_54, %dma_start3A_147] : memref<32768x64xf32, #tpu.memory_space<hbm>> -> memref<128x64xf32, #tpu.memory_space<hbm>>
      tpu.enqueue_dma source(%arg6 : memref<128x64xf32, #tpu.memory_space<vmem>>) target(%dma_start3A_148 : memref<128x64xf32, #tpu.memory_space<hbm>>) target_semaphore(%run_scoped3A : memref<!tpu.dma_semaphore, #tpu.memory_space<semaphore_mem>>)
      %dma_wait3A_149 = arith.constant 0 : i32
      %dma_wait3A_150 = tpu.memref_slice %arg4[%mul3A_54, %dma_wait3A_149] : memref<32768x64xf32, #tpu.memory_space<hbm>> -> memref<128x64xf32, #tpu.memory_space<hbm>>
      %dma_wait3A_151 = arith.constant 0 : i32
      %dma_wait3A_152 = tpu.memref_slice %arg4[%mul3A_54, %dma_wait3A_151] : memref<32768x64xf32, #tpu.memory_space<hbm>> -> memref<128x64xf32, #tpu.memory_space<hbm>>
      tpu.wait_dma2 semaphore(%run_scoped3A : memref<!tpu.dma_semaphore, #tpu.memory_space<semaphore_mem>>) src(%arg6 : memref<128x64xf32, #tpu.memory_space<vmem>>) dst(%dma_wait3A_152 : memref<128x64xf32, #tpu.memory_space<hbm>>)
      tpu.yield
    }) : () -> ()
    %dma_start3A_55 = arith.constant 3 : i32
    %dma_start3A_56 = arith.constant 0 : i32
    %dma_start3A_57 = tpu.memref_slice %arg5[%dma_start3A_55, %dma_start3A_56] : memref<8x128xi32, #tpu.memory_space<vmem>> -> memref<1x128xi32, #tpu.memory_space<vmem>>
    %dma_start3A_58 = tpu.memref_squeeze %dma_start3A_57 : memref<1x128xi32, #tpu.memory_space<vmem>> -> memref<128xi32, #tpu.memory_space<vmem>>
    %dma_start3A_59 = arith.constant 0 : i32
    %dma_start3A_60 = arith.constant 0 : i32
    %dma_start3A_61 = tpu.memref_slice %arg2[%dma_start3A_59, %dma_start3A_60] : memref<50257x64xf32, #tpu.memory_space<hbm>> -> memref<50257x64xf32, #tpu.memory_space<hbm>>
    tpu.enqueue_indirect_dma source(%dma_start3A_61 : memref<50257x64xf32, #tpu.memory_space<hbm>>) target(%arg6 : memref<128x64xf32, #tpu.memory_space<vmem>>) offsets(%dma_start3A_58 : memref<128xi32, #tpu.memory_space<vmem>>) semaphore(%arg7 : memref<!tpu.dma_semaphore, #tpu.memory_space<semaphore_mem>>)
    %dma_wait3A_62 = arith.constant 3 : i32
    %dma_wait3A_63 = arith.constant 0 : i32
    %dma_wait3A_64 = tpu.memref_slice %arg5[%dma_wait3A_62, %dma_wait3A_63] : memref<8x128xi32, #tpu.memory_space<vmem>> -> memref<1x128xi32, #tpu.memory_space<vmem>>
    %dma_wait3A_65 = tpu.memref_squeeze %dma_wait3A_64 : memref<1x128xi32, #tpu.memory_space<vmem>> -> memref<128xi32, #tpu.memory_space<vmem>>
    %dma_wait3A_66 = arith.constant 0 : i32
    %dma_wait3A_67 = arith.constant 0 : i32
    %dma_wait3A_68 = tpu.memref_slice %arg2[%dma_wait3A_66, %dma_wait3A_67] : memref<50257x64xf32, #tpu.memory_space<hbm>> -> memref<50257x64xf32, #tpu.memory_space<hbm>>
    tpu.wait_indirect_dma semaphore(%arg7 : memref<!tpu.dma_semaphore, #tpu.memory_space<semaphore_mem>>) src(%dma_wait3A_68 : memref<50257x64xf32, #tpu.memory_space<hbm>>) dst(%arg6 : memref<128x64xf32, #tpu.memory_space<vmem>>)
    %add3A_69 = arith.constant 3 : i32
    %add3A_70 = arith.addi %mul3A_2, %add3A_69 : i32
    %mul3A_71 = arith.constant 128 : i32
    %mul3A_72 = arith.muli %add3A_70, %mul3A_71 : i32
    "tpu.region"() ({
      %run_scoped3A = tpu.sem_alloc : memref<!tpu.dma_semaphore, #tpu.memory_space<semaphore_mem>>
      %dma_start3A_145 = arith.constant 0 : i32
      %dma_start3A_146 = tpu.memref_slice %arg4[%mul3A_72, %dma_start3A_145] : memref<32768x64xf32, #tpu.memory_space<hbm>> -> memref<128x64xf32, #tpu.memory_space<hbm>>
      %dma_start3A_147 = arith.constant 0 : i32
      %dma_start3A_148 = tpu.memref_slice %arg4[%mul3A_72, %dma_start3A_147] : memref<32768x64xf32, #tpu.memory_space<hbm>> -> memref<128x64xf32, #tpu.memory_space<hbm>>
      tpu.enqueue_dma source(%arg6 : memref<128x64xf32, #tpu.memory_space<vmem>>) target(%dma_start3A_148 : memref<128x64xf32, #tpu.memory_space<hbm>>) target_semaphore(%run_scoped3A : memref<!tpu.dma_semaphore, #tpu.memory_space<semaphore_mem>>)
      %dma_wait3A_149 = arith.constant 0 : i32
      %dma_wait3A_150 = tpu.memref_slice %arg4[%mul3A_72, %dma_wait3A_149] : memref<32768x64xf32, #tpu.memory_space<hbm>> -> memref<128x64xf32, #tpu.memory_space<hbm>>
      %dma_wait3A_151 = arith.constant 0 : i32
      %dma_wait3A_152 = tpu.memref_slice %arg4[%mul3A_72, %dma_wait3A_151] : memref<32768x64xf32, #tpu.memory_space<hbm>> -> memref<128x64xf32, #tpu.memory_space<hbm>>
      tpu.wait_dma2 semaphore(%run_scoped3A : memref<!tpu.dma_semaphore, #tpu.memory_space<semaphore_mem>>) src(%arg6 : memref<128x64xf32, #tpu.memory_space<vmem>>) dst(%dma_wait3A_152 : memref<128x64xf32, #tpu.memory_space<hbm>>)
      tpu.yield
    }) : () -> ()
    %dma_start3A_73 = arith.constant 4 : i32
    %dma_start3A_74 = arith.constant 0 : i32
    %dma_start3A_75 = tpu.memref_slice %arg5[%dma_start3A_73, %dma_start3A_74] : memref<8x128xi32, #tpu.memory_space<vmem>> -> memref<1x128xi32, #tpu.memory_space<vmem>>
    %dma_start3A_76 = tpu.memref_squeeze %dma_start3A_75 : memref<1x128xi32, #tpu.memory_space<vmem>> -> memref<128xi32, #tpu.memory_space<vmem>>
    %dma_start3A_77 = arith.constant 0 : i32
    %dma_start3A_78 = arith.constant 0 : i32
    %dma_start3A_79 = tpu.memref_slice %arg2[%dma_start3A_77, %dma_start3A_78] : memref<50257x64xf32, #tpu.memory_space<hbm>> -> memref<50257x64xf32, #tpu.memory_space<hbm>>
    tpu.enqueue_indirect_dma source(%dma_start3A_79 : memref<50257x64xf32, #tpu.memory_space<hbm>>) target(%arg6 : memref<128x64xf32, #tpu.memory_space<vmem>>) offsets(%dma_start3A_76 : memref<128xi32, #tpu.memory_space<vmem>>) semaphore(%arg7 : memref<!tpu.dma_semaphore, #tpu.memory_space<semaphore_mem>>)
    %dma_wait3A_80 = arith.constant 4 : i32
    %dma_wait3A_81 = arith.constant 0 : i32
    %dma_wait3A_82 = tpu.memref_slice %arg5[%dma_wait3A_80, %dma_wait3A_81] : memref<8x128xi32, #tpu.memory_space<vmem>> -> memref<1x128xi32, #tpu.memory_space<vmem>>
    %dma_wait3A_83 = tpu.memref_squeeze %dma_wait3A_82 : memref<1x128xi32, #tpu.memory_space<vmem>> -> memref<128xi32, #tpu.memory_space<vmem>>
    %dma_wait3A_84 = arith.constant 0 : i32
    %dma_wait3A_85 = arith.constant 0 : i32
    %dma_wait3A_86 = tpu.memref_slice %arg2[%dma_wait3A_84, %dma_wait3A_85] : memref<50257x64xf32, #tpu.memory_space<hbm>> -> memref<50257x64xf32, #tpu.memory_space<hbm>>
    tpu.wait_indirect_dma semaphore(%arg7 : memref<!tpu.dma_semaphore, #tpu.memory_space<semaphore_mem>>) src(%dma_wait3A_86 : memref<50257x64xf32, #tpu.memory_space<hbm>>) dst(%arg6 : memref<128x64xf32, #tpu.memory_space<vmem>>)
    %add3A_87 = arith.constant 4 : i32
    %add3A_88 = arith.addi %mul3A_2, %add3A_87 : i32
    %mul3A_89 = arith.constant 128 : i32
    %mul3A_90 = arith.muli %add3A_88, %mul3A_89 : i32
    "tpu.region"() ({
      %run_scoped3A = tpu.sem_alloc : memref<!tpu.dma_semaphore, #tpu.memory_space<semaphore_mem>>
      %dma_start3A_145 = arith.constant 0 : i32
      %dma_start3A_146 = tpu.memref_slice %arg4[%mul3A_90, %dma_start3A_145] : memref<32768x64xf32, #tpu.memory_space<hbm>> -> memref<128x64xf32, #tpu.memory_space<hbm>>
      %dma_start3A_147 = arith.constant 0 : i32
      %dma_start3A_148 = tpu.memref_slice %arg4[%mul3A_90, %dma_start3A_147] : memref<32768x64xf32, #tpu.memory_space<hbm>> -> memref<128x64xf32, #tpu.memory_space<hbm>>
      tpu.enqueue_dma source(%arg6 : memref<128x64xf32, #tpu.memory_space<vmem>>) target(%dma_start3A_148 : memref<128x64xf32, #tpu.memory_space<hbm>>) target_semaphore(%run_scoped3A : memref<!tpu.dma_semaphore, #tpu.memory_space<semaphore_mem>>)
      %dma_wait3A_149 = arith.constant 0 : i32
      %dma_wait3A_150 = tpu.memref_slice %arg4[%mul3A_90, %dma_wait3A_149] : memref<32768x64xf32, #tpu.memory_space<hbm>> -> memref<128x64xf32, #tpu.memory_space<hbm>>
      %dma_wait3A_151 = arith.constant 0 : i32
      %dma_wait3A_152 = tpu.memref_slice %arg4[%mul3A_90, %dma_wait3A_151] : memref<32768x64xf32, #tpu.memory_space<hbm>> -> memref<128x64xf32, #tpu.memory_space<hbm>>
      tpu.wait_dma2 semaphore(%run_scoped3A : memref<!tpu.dma_semaphore, #tpu.memory_space<semaphore_mem>>) src(%arg6 : memref<128x64xf32, #tpu.memory_space<vmem>>) dst(%dma_wait3A_152 : memref<128x64xf32, #tpu.memory_space<hbm>>)
      tpu.yield
    }) : () -> ()
    %dma_start3A_91 = arith.constant 5 : i32
    %dma_start3A_92 = arith.constant 0 : i32
    %dma_start3A_93 = tpu.memref_slice %arg5[%dma_start3A_91, %dma_start3A_92] : memref<8x128xi32, #tpu.memory_space<vmem>> -> memref<1x128xi32, #tpu.memory_space<vmem>>
    %dma_start3A_94 = tpu.memref_squeeze %dma_start3A_93 : memref<1x128xi32, #tpu.memory_space<vmem>> -> memref<128xi32, #tpu.memory_space<vmem>>
    %dma_start3A_95 = arith.constant 0 : i32
    %dma_start3A_96 = arith.constant 0 : i32
    %dma_start3A_97 = tpu.memref_slice %arg2[%dma_start3A_95, %dma_start3A_96] : memref<50257x64xf32, #tpu.memory_space<hbm>> -> memref<50257x64xf32, #tpu.memory_space<hbm>>
    tpu.enqueue_indirect_dma source(%dma_start3A_97 : memref<50257x64xf32, #tpu.memory_space<hbm>>) target(%arg6 : memref<128x64xf32, #tpu.memory_space<vmem>>) offsets(%dma_start3A_94 : memref<128xi32, #tpu.memory_space<vmem>>) semaphore(%arg7 : memref<!tpu.dma_semaphore, #tpu.memory_space<semaphore_mem>>)
    %dma_wait3A_98 = arith.constant 5 : i32
    %dma_wait3A_99 = arith.constant 0 : i32
    %dma_wait3A_100 = tpu.memref_slice %arg5[%dma_wait3A_98, %dma_wait3A_99] : memref<8x128xi32, #tpu.memory_space<vmem>> -> memref<1x128xi32, #tpu.memory_space<vmem>>
    %dma_wait3A_101 = tpu.memref_squeeze %dma_wait3A_100 : memref<1x128xi32, #tpu.memory_space<vmem>> -> memref<128xi32, #tpu.memory_space<vmem>>
    %dma_wait3A_102 = arith.constant 0 : i32
    %dma_wait3A_103 = arith.constant 0 : i32
    %dma_wait3A_104 = tpu.memref_slice %arg2[%dma_wait3A_102, %dma_wait3A_103] : memref<50257x64xf32, #tpu.memory_space<hbm>> -> memref<50257x64xf32, #tpu.memory_space<hbm>>
    tpu.wait_indirect_dma semaphore(%arg7 : memref<!tpu.dma_semaphore, #tpu.memory_space<semaphore_mem>>) src(%dma_wait3A_104 : memref<50257x64xf32, #tpu.memory_space<hbm>>) dst(%arg6 : memref<128x64xf32, #tpu.memory_space<vmem>>)
    %add3A_105 = arith.constant 5 : i32
    %add3A_106 = arith.addi %mul3A_2, %add3A_105 : i32
    %mul3A_107 = arith.constant 128 : i32
    %mul3A_108 = arith.muli %add3A_106, %mul3A_107 : i32
    "tpu.region"() ({
      %run_scoped3A = tpu.sem_alloc : memref<!tpu.dma_semaphore, #tpu.memory_space<semaphore_mem>>
      %dma_start3A_145 = arith.constant 0 : i32
      %dma_start3A_146 = tpu.memref_slice %arg4[%mul3A_108, %dma_start3A_145] : memref<32768x64xf32, #tpu.memory_space<hbm>> -> memref<128x64xf32, #tpu.memory_space<hbm>>
      %dma_start3A_147 = arith.constant 0 : i32
      %dma_start3A_148 = tpu.memref_slice %arg4[%mul3A_108, %dma_start3A_147] : memref<32768x64xf32, #tpu.memory_space<hbm>> -> memref<128x64xf32, #tpu.memory_space<hbm>>
      tpu.enqueue_dma source(%arg6 : memref<128x64xf32, #tpu.memory_space<vmem>>) target(%dma_start3A_148 : memref<128x64xf32, #tpu.memory_space<hbm>>) target_semaphore(%run_scoped3A : memref<!tpu.dma_semaphore, #tpu.memory_space<semaphore_mem>>)
      %dma_wait3A_149 = arith.constant 0 : i32
      %dma_wait3A_150 = tpu.memref_slice %arg4[%mul3A_108, %dma_wait3A_149] : memref<32768x64xf32, #tpu.memory_space<hbm>> -> memref<128x64xf32, #tpu.memory_space<hbm>>
      %dma_wait3A_151 = arith.constant 0 : i32
      %dma_wait3A_152 = tpu.memref_slice %arg4[%mul3A_108, %dma_wait3A_151] : memref<32768x64xf32, #tpu.memory_space<hbm>> -> memref<128x64xf32, #tpu.memory_space<hbm>>
      tpu.wait_dma2 semaphore(%run_scoped3A : memref<!tpu.dma_semaphore, #tpu.memory_space<semaphore_mem>>) src(%arg6 : memref<128x64xf32, #tpu.memory_space<vmem>>) dst(%dma_wait3A_152 : memref<128x64xf32, #tpu.memory_space<hbm>>)
      tpu.yield
    }) : () -> ()
    %dma_start3A_109 = arith.constant 6 : i32
    %dma_start3A_110 = arith.constant 0 : i32
    %dma_start3A_111 = tpu.memref_slice %arg5[%dma_start3A_109, %dma_start3A_110] : memref<8x128xi32, #tpu.memory_space<vmem>> -> memref<1x128xi32, #tpu.memory_space<vmem>>
    %dma_start3A_112 = tpu.memref_squeeze %dma_start3A_111 : memref<1x128xi32, #tpu.memory_space<vmem>> -> memref<128xi32, #tpu.memory_space<vmem>>
    %dma_start3A_113 = arith.constant 0 : i32
    %dma_start3A_114 = arith.constant 0 : i32
    %dma_start3A_115 = tpu.memref_slice %arg2[%dma_start3A_113, %dma_start3A_114] : memref<50257x64xf32, #tpu.memory_space<hbm>> -> memref<50257x64xf32, #tpu.memory_space<hbm>>
    tpu.enqueue_indirect_dma source(%dma_start3A_115 : memref<50257x64xf32, #tpu.memory_space<hbm>>) target(%arg6 : memref<128x64xf32, #tpu.memory_space<vmem>>) offsets(%dma_start3A_112 : memref<128xi32, #tpu.memory_space<vmem>>) semaphore(%arg7 : memref<!tpu.dma_semaphore, #tpu.memory_space<semaphore_mem>>)
    %dma_wait3A_116 = arith.constant 6 : i32
    %dma_wait3A_117 = arith.constant 0 : i32
    %dma_wait3A_118 = tpu.memref_slice %arg5[%dma_wait3A_116, %dma_wait3A_117] : memref<8x128xi32, #tpu.memory_space<vmem>> -> memref<1x128xi32, #tpu.memory_space<vmem>>
    %dma_wait3A_119 = tpu.memref_squeeze %dma_wait3A_118 : memref<1x128xi32, #tpu.memory_space<vmem>> -> memref<128xi32, #tpu.memory_space<vmem>>
    %dma_wait3A_120 = arith.constant 0 : i32
    %dma_wait3A_121 = arith.constant 0 : i32
    %dma_wait3A_122 = tpu.memref_slice %arg2[%dma_wait3A_120, %dma_wait3A_121] : memref<50257x64xf32, #tpu.memory_space<hbm>> -> memref<50257x64xf32, #tpu.memory_space<hbm>>
    tpu.wait_indirect_dma semaphore(%arg7 : memref<!tpu.dma_semaphore, #tpu.memory_space<semaphore_mem>>) src(%dma_wait3A_122 : memref<50257x64xf32, #tpu.memory_space<hbm>>) dst(%arg6 : memref<128x64xf32, #tpu.memory_space<vmem>>)
    %add3A_123 = arith.constant 6 : i32
    %add3A_124 = arith.addi %mul3A_2, %add3A_123 : i32
    %mul3A_125 = arith.constant 128 : i32
    %mul3A_126 = arith.muli %add3A_124, %mul3A_125 : i32
    "tpu.region"() ({
      %run_scoped3A = tpu.sem_alloc : memref<!tpu.dma_semaphore, #tpu.memory_space<semaphore_mem>>
      %dma_start3A_145 = arith.constant 0 : i32
      %dma_start3A_146 = tpu.memref_slice %arg4[%mul3A_126, %dma_start3A_145] : memref<32768x64xf32, #tpu.memory_space<hbm>> -> memref<128x64xf32, #tpu.memory_space<hbm>>
      %dma_start3A_147 = arith.constant 0 : i32
      %dma_start3A_148 = tpu.memref_slice %arg4[%mul3A_126, %dma_start3A_147] : memref<32768x64xf32, #tpu.memory_space<hbm>> -> memref<128x64xf32, #tpu.memory_space<hbm>>
      tpu.enqueue_dma source(%arg6 : memref<128x64xf32, #tpu.memory_space<vmem>>) target(%dma_start3A_148 : memref<128x64xf32, #tpu.memory_space<hbm>>) target_semaphore(%run_scoped3A : memref<!tpu.dma_semaphore, #tpu.memory_space<semaphore_mem>>)
      %dma_wait3A_149 = arith.constant 0 : i32
      %dma_wait3A_150 = tpu.memref_slice %arg4[%mul3A_126, %dma_wait3A_149] : memref<32768x64xf32, #tpu.memory_space<hbm>> -> memref<128x64xf32, #tpu.memory_space<hbm>>
      %dma_wait3A_151 = arith.constant 0 : i32
      %dma_wait3A_152 = tpu.memref_slice %arg4[%mul3A_126, %dma_wait3A_151] : memref<32768x64xf32, #tpu.memory_space<hbm>> -> memref<128x64xf32, #tpu.memory_space<hbm>>
      tpu.wait_dma2 semaphore(%run_scoped3A : memref<!tpu.dma_semaphore, #tpu.memory_space<semaphore_mem>>) src(%arg6 : memref<128x64xf32, #tpu.memory_space<vmem>>) dst(%dma_wait3A_152 : memref<128x64xf32, #tpu.memory_space<hbm>>)
      tpu.yield
    }) : () -> ()
    %dma_start3A_127 = arith.constant 7 : i32
    %dma_start3A_128 = arith.constant 0 : i32
    %dma_start3A_129 = tpu.memref_slice %arg5[%dma_start3A_127, %dma_start3A_128] : memref<8x128xi32, #tpu.memory_space<vmem>> -> memref<1x128xi32, #tpu.memory_space<vmem>>
    %dma_start3A_130 = tpu.memref_squeeze %dma_start3A_129 : memref<1x128xi32, #tpu.memory_space<vmem>> -> memref<128xi32, #tpu.memory_space<vmem>>
    %dma_start3A_131 = arith.constant 0 : i32
    %dma_start3A_132 = arith.constant 0 : i32
    %dma_start3A_133 = tpu.memref_slice %arg2[%dma_start3A_131, %dma_start3A_132] : memref<50257x64xf32, #tpu.memory_space<hbm>> -> memref<50257x64xf32, #tpu.memory_space<hbm>>
    tpu.enqueue_indirect_dma source(%dma_start3A_133 : memref<50257x64xf32, #tpu.memory_space<hbm>>) target(%arg6 : memref<128x64xf32, #tpu.memory_space<vmem>>) offsets(%dma_start3A_130 : memref<128xi32, #tpu.memory_space<vmem>>) semaphore(%arg7 : memref<!tpu.dma_semaphore, #tpu.memory_space<semaphore_mem>>)
    %dma_wait3A_134 = arith.constant 7 : i32
    %dma_wait3A_135 = arith.constant 0 : i32
    %dma_wait3A_136 = tpu.memref_slice %arg5[%dma_wait3A_134, %dma_wait3A_135] : memref<8x128xi32, #tpu.memory_space<vmem>> -> memref<1x128xi32, #tpu.memory_space<vmem>>
    %dma_wait3A_137 = tpu.memref_squeeze %dma_wait3A_136 : memref<1x128xi32, #tpu.memory_space<vmem>> -> memref<128xi32, #tpu.memory_space<vmem>>
    %dma_wait3A_138 = arith.constant 0 : i32
    %dma_wait3A_139 = arith.constant 0 : i32
    %dma_wait3A_140 = tpu.memref_slice %arg2[%dma_wait3A_138, %dma_wait3A_139] : memref<50257x64xf32, #tpu.memory_space<hbm>> -> memref<50257x64xf32, #tpu.memory_space<hbm>>
    tpu.wait_indirect_dma semaphore(%arg7 : memref<!tpu.dma_semaphore, #tpu.memory_space<semaphore_mem>>) src(%dma_wait3A_140 : memref<50257x64xf32, #tpu.memory_space<hbm>>) dst(%arg6 : memref<128x64xf32, #tpu.memory_space<vmem>>)
    %add3A_141 = arith.constant 7 : i32
    %add3A_142 = arith.addi %mul3A_2, %add3A_141 : i32
    %mul3A_143 = arith.constant 128 : i32
    %mul3A_144 = arith.muli %add3A_142, %mul3A_143 : i32
    "tpu.region"() ({
      %run_scoped3A = tpu.sem_alloc : memref<!tpu.dma_semaphore, #tpu.memory_space<semaphore_mem>>
      %dma_start3A_145 = arith.constant 0 : i32
      %dma_start3A_146 = tpu.memref_slice %arg4[%mul3A_144, %dma_start3A_145] : memref<32768x64xf32, #tpu.memory_space<hbm>> -> memref<128x64xf32, #tpu.memory_space<hbm>>
      %dma_start3A_147 = arith.constant 0 : i32
      %dma_start3A_148 = tpu.memref_slice %arg4[%mul3A_144, %dma_start3A_147] : memref<32768x64xf32, #tpu.memory_space<hbm>> -> memref<128x64xf32, #tpu.memory_space<hbm>>
      tpu.enqueue_dma source(%arg6 : memref<128x64xf32, #tpu.memory_space<vmem>>) target(%dma_start3A_148 : memref<128x64xf32, #tpu.memory_space<hbm>>) target_semaphore(%run_scoped3A : memref<!tpu.dma_semaphore, #tpu.memory_space<semaphore_mem>>)
      %dma_wait3A_149 = arith.constant 0 : i32
      %dma_wait3A_150 = tpu.memref_slice %arg4[%mul3A_144, %dma_wait3A_149] : memref<32768x64xf32, #tpu.memory_space<hbm>> -> memref<128x64xf32, #tpu.memory_space<hbm>>
      %dma_wait3A_151 = arith.constant 0 : i32
      %dma_wait3A_152 = tpu.memref_slice %arg4[%mul3A_144, %dma_wait3A_151] : memref<32768x64xf32, #tpu.memory_space<hbm>> -> memref<128x64xf32, #tpu.memory_space<hbm>>
      tpu.wait_dma2 semaphore(%run_scoped3A : memref<!tpu.dma_semaphore, #tpu.memory_space<semaphore_mem>>) src(%arg6 : memref<128x64xf32, #tpu.memory_space<vmem>>) dst(%dma_wait3A_152 : memref<128x64xf32, #tpu.memory_space<hbm>>)
      tpu.yield
    }) : () -> ()
    return
  }
}

module attributes {stable_mosaic.version = 14 : i64} {
  func.func @_tc_body(%arg0: i32, %arg1: memref<256x64xf32, #tpu.memory_space<vmem>>, %arg2: memref<64x2048xf32, #tpu.memory_space<vmem>>, %arg3: memref<1x2048xf32, #tpu.memory_space<vmem>>, %arg4: memref<2048x1024xf32, #tpu.memory_space<vmem>>, %arg5: memref<1x1024xf32, #tpu.memory_space<vmem>>, %arg6: memref<256x1024xf32, #tpu.memory_space<vmem>>) attributes {dimension_semantics = [#tpu.dimension_semantics<arbitrary>], iteration_bounds = array<i64: 128>, scalar_prefetch = 0 : i64, scratch_operands = 0 : i64, tpu.core_type = #tpu.core_type<tc>, window_params = [{transform_indices = @transform_0, window_bounds = array<i64: 256, 64>}, {pipeline_mode = #tpu.pipeline_mode<synchronous>, transform_indices = @transform_1, window_bounds = array<i64: 64, 2048>}, {pipeline_mode = #tpu.pipeline_mode<synchronous>, transform_indices = @transform_2, window_bounds = array<i64: 1, 2048>}, {pipeline_mode = #tpu.pipeline_mode<synchronous>, transform_indices = @transform_3, window_bounds = array<i64: 2048, 1024>}, {pipeline_mode = #tpu.pipeline_mode<synchronous>, transform_indices = @transform_4, window_bounds = array<i64: 1, 1024>}, {transform_indices = @transform_5, window_bounds = array<i64: 256, 1024>}]} {
    %get3A = arith.constant 0 : index
    %get3A_0 = arith.constant 0 : index
    %get3A_1 = vector.load %arg1[%get3A, %get3A_0] : memref<256x64xf32, #tpu.memory_space<vmem>>, vector<256x64xf32>
    %get3A_2 = arith.constant 0 : index
    %get3A_3 = arith.constant 0 : index
    %get3A_4 = vector.load %arg2[%get3A_2, %get3A_3] : memref<64x2048xf32, #tpu.memory_space<vmem>>, vector<64x2048xf32>
    %dot_general3A = arith.constant dense<0.000000e+00> : vector<256x2048xf32>
    %dot_general3A_5 = tpu.matmul %get3A_1, %get3A_4, %dot_general3A {dimension_numbers = #tpu.dot_dimension_numbers<[1], [0], [0], [1], [0, 0, 1, 1], [], []>, transpose_lhs_hint = false} : vector<256x64xf32>, vector<64x2048xf32>, vector<256x2048xf32> -> vector<256x2048xf32>
    %get3A_6 = arith.constant 0 : index
    %get3A_7 = arith.constant 0 : index
    %get3A_8 = vector.load %arg3[%get3A_6, %get3A_7] : memref<1x2048xf32, #tpu.memory_space<vmem>>, vector<1x2048xf32>
    %add3A = vector.broadcast %get3A_8 : vector<1x2048xf32> to vector<256x2048xf32>
    %add3A_9 = arith.addf %dot_general3A_5, %add3A : vector<256x2048xf32>
    %mul3A = arith.constant 5.000000e-01 : f32
    %mul3A_10 = vector.broadcast %mul3A : f32 to vector<256x2048xf32>
    %mul3A_11 = arith.mulf %mul3A_10, %add3A_9 : vector<256x2048xf32>
    %mul3A_12 = arith.constant 0.707106769 : f32
    %mul3A_13 = vector.broadcast %mul3A_12 : f32 to vector<256x2048xf32>
    %mul3A_14 = arith.mulf %add3A_9, %mul3A_13 : vector<256x2048xf32>
    %erf3A = math.erf %mul3A_14 : vector<256x2048xf32>
    %add3A_15 = arith.constant 1.000000e+00 : f32
    %add3A_16 = vector.broadcast %add3A_15 : f32 to vector<256x2048xf32>
    %add3A_17 = arith.addf %add3A_16, %erf3A : vector<256x2048xf32>
    %mul3A_18 = arith.mulf %mul3A_11, %add3A_17 : vector<256x2048xf32>
    %get3A_19 = arith.constant 0 : index
    %get3A_20 = arith.constant 0 : index
    %get3A_21 = vector.load %arg4[%get3A_19, %get3A_20] : memref<2048x1024xf32, #tpu.memory_space<vmem>>, vector<2048x1024xf32>
    %dot_general3A_22 = arith.constant dense<0.000000e+00> : vector<256x1024xf32>
    %dot_general3A_23 = tpu.matmul %mul3A_18, %get3A_21, %dot_general3A_22 {dimension_numbers = #tpu.dot_dimension_numbers<[1], [0], [0], [1], [0, 0, 1, 1], [], []>, transpose_lhs_hint = false} : vector<256x2048xf32>, vector<2048x1024xf32>, vector<256x1024xf32> -> vector<256x1024xf32>
    %get3A_24 = arith.constant 0 : index
    %get3A_25 = arith.constant 0 : index
    %get3A_26 = vector.load %arg5[%get3A_24, %get3A_25] : memref<1x1024xf32, #tpu.memory_space<vmem>>, vector<1x1024xf32>
    %add3A_27 = vector.broadcast %get3A_26 : vector<1x1024xf32> to vector<256x1024xf32>
    %add3A_28 = arith.addf %dot_general3A_23, %add3A_27 : vector<256x1024xf32>
    %bitcast_convert_type3A = tpu.bitcast %add3A_28 : vector<256x1024xf32> -> vector<256x1024xi32>
    %lt3A = arith.constant 0 : i32
    %lt3A_29 = vector.broadcast %lt3A : i32 to vector<256x1024xi32>
    %lt3A_30 = arith.cmpi slt, %bitcast_convert_type3A, %lt3A_29 : vector<256x1024xi32>
    %xor3A = arith.constant 2147483647 : i32
    %xor3A_31 = vector.broadcast %xor3A : i32 to vector<256x1024xi32>
    %xor3A_32 = arith.xori %bitcast_convert_type3A, %xor3A_31 : vector<256x1024xi32>
    %select_n3A = arith.select %lt3A_30, %xor3A_32, %bitcast_convert_type3A : vector<256x1024xi1>, vector<256x1024xi32>
    %broadcast_in_dim3A = arith.constant 0 : i32
    %broadcast_in_dim3A_33 = vector.broadcast %broadcast_in_dim3A : i32 to vector<256x1xi32>
    %or3A = arith.constant -2147483648 : i32
    %or3A_34 = vector.broadcast %or3A : i32 to vector<256x1xi32>
    %or3A_35 = arith.ori %broadcast_in_dim3A_33, %or3A_34 : vector<256x1xi32>
    %xor3A_36 = arith.constant -2147483648 : i32
    %xor3A_37 = vector.broadcast %xor3A_36 : i32 to vector<256x1xi32>
    %xor3A_38 = arith.xori %or3A_35, %xor3A_37 : vector<256x1xi32>
    %ge3A = vector.broadcast %xor3A_38 : vector<256x1xi32> to vector<256x1024xi32>
    %ge3A_39 = arith.cmpi sge, %select_n3A, %ge3A : vector<256x1024xi32>
    %convert_element_type3A = arith.extui %ge3A_39 : vector<256x1024xi1> to vector<256x1024xi32>
    %reduce_sum3A = arith.constant dense<0> : vector<256xi32>
    %reduce_sum3A_40 = vector.multi_reduction <add>, %convert_element_type3A, %reduce_sum3A [1] : vector<256x1024xi32> to vector<256xi32>
    %broadcast_in_dim3A_41 = vector.shape_cast %reduce_sum3A_40 : vector<256xi32> to vector<256x1xi32>
    %ge3A_42 = arith.constant 50 : i32
    %ge3A_43 = vector.broadcast %ge3A_42 : i32 to vector<256x1xi32>
    %ge3A_44 = arith.cmpi sge, %broadcast_in_dim3A_41, %ge3A_43 : vector<256x1xi32>
    %select_n3A_45 = arith.select %ge3A_44, %or3A_35, %broadcast_in_dim3A_33 : vector<256x1xi1>, vector<256x1xi32>
    %or3A_46 = arith.constant 1073741824 : i32
    %or3A_47 = vector.broadcast %or3A_46 : i32 to vector<256x1xi32>
    %or3A_48 = arith.ori %select_n3A_45, %or3A_47 : vector<256x1xi32>
    %xor3A_49 = arith.constant -2147483648 : i32
    %xor3A_50 = vector.broadcast %xor3A_49 : i32 to vector<256x1xi32>
    %xor3A_51 = arith.xori %or3A_48, %xor3A_50 : vector<256x1xi32>
    %ge3A_52 = vector.broadcast %xor3A_51 : vector<256x1xi32> to vector<256x1024xi32>
    %ge3A_53 = arith.cmpi sge, %select_n3A, %ge3A_52 : vector<256x1024xi32>
    %convert_element_type3A_54 = arith.extui %ge3A_53 : vector<256x1024xi1> to vector<256x1024xi32>
    %reduce_sum3A_55 = arith.constant dense<0> : vector<256xi32>
    %reduce_sum3A_56 = vector.multi_reduction <add>, %convert_element_type3A_54, %reduce_sum3A_55 [1] : vector<256x1024xi32> to vector<256xi32>
    %broadcast_in_dim3A_57 = vector.shape_cast %reduce_sum3A_56 : vector<256xi32> to vector<256x1xi32>
    %ge3A_58 = arith.constant 50 : i32
    %ge3A_59 = vector.broadcast %ge3A_58 : i32 to vector<256x1xi32>
    %ge3A_60 = arith.cmpi sge, %broadcast_in_dim3A_57, %ge3A_59 : vector<256x1xi32>
    %select_n3A_61 = arith.select %ge3A_60, %or3A_48, %select_n3A_45 : vector<256x1xi1>, vector<256x1xi32>
    %or3A_62 = arith.constant 536870912 : i32
    %or3A_63 = vector.broadcast %or3A_62 : i32 to vector<256x1xi32>
    %or3A_64 = arith.ori %select_n3A_61, %or3A_63 : vector<256x1xi32>
    %xor3A_65 = arith.constant -2147483648 : i32
    %xor3A_66 = vector.broadcast %xor3A_65 : i32 to vector<256x1xi32>
    %xor3A_67 = arith.xori %or3A_64, %xor3A_66 : vector<256x1xi32>
    %ge3A_68 = vector.broadcast %xor3A_67 : vector<256x1xi32> to vector<256x1024xi32>
    %ge3A_69 = arith.cmpi sge, %select_n3A, %ge3A_68 : vector<256x1024xi32>
    %convert_element_type3A_70 = arith.extui %ge3A_69 : vector<256x1024xi1> to vector<256x1024xi32>
    %reduce_sum3A_71 = arith.constant dense<0> : vector<256xi32>
    %reduce_sum3A_72 = vector.multi_reduction <add>, %convert_element_type3A_70, %reduce_sum3A_71 [1] : vector<256x1024xi32> to vector<256xi32>
    %broadcast_in_dim3A_73 = vector.shape_cast %reduce_sum3A_72 : vector<256xi32> to vector<256x1xi32>
    %ge3A_74 = arith.constant 50 : i32
    %ge3A_75 = vector.broadcast %ge3A_74 : i32 to vector<256x1xi32>
    %ge3A_76 = arith.cmpi sge, %broadcast_in_dim3A_73, %ge3A_75 : vector<256x1xi32>
    %select_n3A_77 = arith.select %ge3A_76, %or3A_64, %select_n3A_61 : vector<256x1xi1>, vector<256x1xi32>
    %or3A_78 = arith.constant 268435456 : i32
    %or3A_79 = vector.broadcast %or3A_78 : i32 to vector<256x1xi32>
    %or3A_80 = arith.ori %select_n3A_77, %or3A_79 : vector<256x1xi32>
    %xor3A_81 = arith.constant -2147483648 : i32
    %xor3A_82 = vector.broadcast %xor3A_81 : i32 to vector<256x1xi32>
    %xor3A_83 = arith.xori %or3A_80, %xor3A_82 : vector<256x1xi32>
    %ge3A_84 = vector.broadcast %xor3A_83 : vector<256x1xi32> to vector<256x1024xi32>
    %ge3A_85 = arith.cmpi sge, %select_n3A, %ge3A_84 : vector<256x1024xi32>
    %convert_element_type3A_86 = arith.extui %ge3A_85 : vector<256x1024xi1> to vector<256x1024xi32>
    %reduce_sum3A_87 = arith.constant dense<0> : vector<256xi32>
    %reduce_sum3A_88 = vector.multi_reduction <add>, %convert_element_type3A_86, %reduce_sum3A_87 [1] : vector<256x1024xi32> to vector<256xi32>
    %broadcast_in_dim3A_89 = vector.shape_cast %reduce_sum3A_88 : vector<256xi32> to vector<256x1xi32>
    %ge3A_90 = arith.constant 50 : i32
    %ge3A_91 = vector.broadcast %ge3A_90 : i32 to vector<256x1xi32>
    %ge3A_92 = arith.cmpi sge, %broadcast_in_dim3A_89, %ge3A_91 : vector<256x1xi32>
    %select_n3A_93 = arith.select %ge3A_92, %or3A_80, %select_n3A_77 : vector<256x1xi1>, vector<256x1xi32>
    %or3A_94 = arith.constant 134217728 : i32
    %or3A_95 = vector.broadcast %or3A_94 : i32 to vector<256x1xi32>
    %or3A_96 = arith.ori %select_n3A_93, %or3A_95 : vector<256x1xi32>
    %xor3A_97 = arith.constant -2147483648 : i32
    %xor3A_98 = vector.broadcast %xor3A_97 : i32 to vector<256x1xi32>
    %xor3A_99 = arith.xori %or3A_96, %xor3A_98 : vector<256x1xi32>
    %ge3A_100 = vector.broadcast %xor3A_99 : vector<256x1xi32> to vector<256x1024xi32>
    %ge3A_101 = arith.cmpi sge, %select_n3A, %ge3A_100 : vector<256x1024xi32>
    %convert_element_type3A_102 = arith.extui %ge3A_101 : vector<256x1024xi1> to vector<256x1024xi32>
    %reduce_sum3A_103 = arith.constant dense<0> : vector<256xi32>
    %reduce_sum3A_104 = vector.multi_reduction <add>, %convert_element_type3A_102, %reduce_sum3A_103 [1] : vector<256x1024xi32> to vector<256xi32>
    %broadcast_in_dim3A_105 = vector.shape_cast %reduce_sum3A_104 : vector<256xi32> to vector<256x1xi32>
    %ge3A_106 = arith.constant 50 : i32
    %ge3A_107 = vector.broadcast %ge3A_106 : i32 to vector<256x1xi32>
    %ge3A_108 = arith.cmpi sge, %broadcast_in_dim3A_105, %ge3A_107 : vector<256x1xi32>
    %select_n3A_109 = arith.select %ge3A_108, %or3A_96, %select_n3A_93 : vector<256x1xi1>, vector<256x1xi32>
    %or3A_110 = arith.constant 67108864 : i32
    %or3A_111 = vector.broadcast %or3A_110 : i32 to vector<256x1xi32>
    %or3A_112 = arith.ori %select_n3A_109, %or3A_111 : vector<256x1xi32>
    %xor3A_113 = arith.constant -2147483648 : i32
    %xor3A_114 = vector.broadcast %xor3A_113 : i32 to vector<256x1xi32>
    %xor3A_115 = arith.xori %or3A_112, %xor3A_114 : vector<256x1xi32>
    %ge3A_116 = vector.broadcast %xor3A_115 : vector<256x1xi32> to vector<256x1024xi32>
    %ge3A_117 = arith.cmpi sge, %select_n3A, %ge3A_116 : vector<256x1024xi32>
    %convert_element_type3A_118 = arith.extui %ge3A_117 : vector<256x1024xi1> to vector<256x1024xi32>
    %reduce_sum3A_119 = arith.constant dense<0> : vector<256xi32>
    %reduce_sum3A_120 = vector.multi_reduction <add>, %convert_element_type3A_118, %reduce_sum3A_119 [1] : vector<256x1024xi32> to vector<256xi32>
    %broadcast_in_dim3A_121 = vector.shape_cast %reduce_sum3A_120 : vector<256xi32> to vector<256x1xi32>
    %ge3A_122 = arith.constant 50 : i32
    %ge3A_123 = vector.broadcast %ge3A_122 : i32 to vector<256x1xi32>
    %ge3A_124 = arith.cmpi sge, %broadcast_in_dim3A_121, %ge3A_123 : vector<256x1xi32>
    %select_n3A_125 = arith.select %ge3A_124, %or3A_112, %select_n3A_109 : vector<256x1xi1>, vector<256x1xi32>
    %or3A_126 = arith.constant 33554432 : i32
    %or3A_127 = vector.broadcast %or3A_126 : i32 to vector<256x1xi32>
    %or3A_128 = arith.ori %select_n3A_125, %or3A_127 : vector<256x1xi32>
    %xor3A_129 = arith.constant -2147483648 : i32
    %xor3A_130 = vector.broadcast %xor3A_129 : i32 to vector<256x1xi32>
    %xor3A_131 = arith.xori %or3A_128, %xor3A_130 : vector<256x1xi32>
    %ge3A_132 = vector.broadcast %xor3A_131 : vector<256x1xi32> to vector<256x1024xi32>
    %ge3A_133 = arith.cmpi sge, %select_n3A, %ge3A_132 : vector<256x1024xi32>
    %convert_element_type3A_134 = arith.extui %ge3A_133 : vector<256x1024xi1> to vector<256x1024xi32>
    %reduce_sum3A_135 = arith.constant dense<0> : vector<256xi32>
    %reduce_sum3A_136 = vector.multi_reduction <add>, %convert_element_type3A_134, %reduce_sum3A_135 [1] : vector<256x1024xi32> to vector<256xi32>
    %broadcast_in_dim3A_137 = vector.shape_cast %reduce_sum3A_136 : vector<256xi32> to vector<256x1xi32>
    %ge3A_138 = arith.constant 50 : i32
    %ge3A_139 = vector.broadcast %ge3A_138 : i32 to vector<256x1xi32>
    %ge3A_140 = arith.cmpi sge, %broadcast_in_dim3A_137, %ge3A_139 : vector<256x1xi32>
    %select_n3A_141 = arith.select %ge3A_140, %or3A_128, %select_n3A_125 : vector<256x1xi1>, vector<256x1xi32>
    %or3A_142 = arith.constant 16777216 : i32
    %or3A_143 = vector.broadcast %or3A_142 : i32 to vector<256x1xi32>
    %or3A_144 = arith.ori %select_n3A_141, %or3A_143 : vector<256x1xi32>
    %xor3A_145 = arith.constant -2147483648 : i32
    %xor3A_146 = vector.broadcast %xor3A_145 : i32 to vector<256x1xi32>
    %xor3A_147 = arith.xori %or3A_144, %xor3A_146 : vector<256x1xi32>
    %ge3A_148 = vector.broadcast %xor3A_147 : vector<256x1xi32> to vector<256x1024xi32>
    %ge3A_149 = arith.cmpi sge, %select_n3A, %ge3A_148 : vector<256x1024xi32>
    %convert_element_type3A_150 = arith.extui %ge3A_149 : vector<256x1024xi1> to vector<256x1024xi32>
    %reduce_sum3A_151 = arith.constant dense<0> : vector<256xi32>
    %reduce_sum3A_152 = vector.multi_reduction <add>, %convert_element_type3A_150, %reduce_sum3A_151 [1] : vector<256x1024xi32> to vector<256xi32>
    %broadcast_in_dim3A_153 = vector.shape_cast %reduce_sum3A_152 : vector<256xi32> to vector<256x1xi32>
    %ge3A_154 = arith.constant 50 : i32
    %ge3A_155 = vector.broadcast %ge3A_154 : i32 to vector<256x1xi32>
    %ge3A_156 = arith.cmpi sge, %broadcast_in_dim3A_153, %ge3A_155 : vector<256x1xi32>
    %select_n3A_157 = arith.select %ge3A_156, %or3A_144, %select_n3A_141 : vector<256x1xi1>, vector<256x1xi32>
    %or3A_158 = arith.constant 8388608 : i32
    %or3A_159 = vector.broadcast %or3A_158 : i32 to vector<256x1xi32>
    %or3A_160 = arith.ori %select_n3A_157, %or3A_159 : vector<256x1xi32>
    %xor3A_161 = arith.constant -2147483648 : i32
    %xor3A_162 = vector.broadcast %xor3A_161 : i32 to vector<256x1xi32>
    %xor3A_163 = arith.xori %or3A_160, %xor3A_162 : vector<256x1xi32>
    %ge3A_164 = vector.broadcast %xor3A_163 : vector<256x1xi32> to vector<256x1024xi32>
    %ge3A_165 = arith.cmpi sge, %select_n3A, %ge3A_164 : vector<256x1024xi32>
    %convert_element_type3A_166 = arith.extui %ge3A_165 : vector<256x1024xi1> to vector<256x1024xi32>
    %reduce_sum3A_167 = arith.constant dense<0> : vector<256xi32>
    %reduce_sum3A_168 = vector.multi_reduction <add>, %convert_element_type3A_166, %reduce_sum3A_167 [1] : vector<256x1024xi32> to vector<256xi32>
    %broadcast_in_dim3A_169 = vector.shape_cast %reduce_sum3A_168 : vector<256xi32> to vector<256x1xi32>
    %ge3A_170 = arith.constant 50 : i32
    %ge3A_171 = vector.broadcast %ge3A_170 : i32 to vector<256x1xi32>
    %ge3A_172 = arith.cmpi sge, %broadcast_in_dim3A_169, %ge3A_171 : vector<256x1xi32>
    %select_n3A_173 = arith.select %ge3A_172, %or3A_160, %select_n3A_157 : vector<256x1xi1>, vector<256x1xi32>
    %or3A_174 = arith.constant 4194304 : i32
    %or3A_175 = vector.broadcast %or3A_174 : i32 to vector<256x1xi32>
    %or3A_176 = arith.ori %select_n3A_173, %or3A_175 : vector<256x1xi32>
    %xor3A_177 = arith.constant -2147483648 : i32
    %xor3A_178 = vector.broadcast %xor3A_177 : i32 to vector<256x1xi32>
    %xor3A_179 = arith.xori %or3A_176, %xor3A_178 : vector<256x1xi32>
    %ge3A_180 = vector.broadcast %xor3A_179 : vector<256x1xi32> to vector<256x1024xi32>
    %ge3A_181 = arith.cmpi sge, %select_n3A, %ge3A_180 : vector<256x1024xi32>
    %convert_element_type3A_182 = arith.extui %ge3A_181 : vector<256x1024xi1> to vector<256x1024xi32>
    %reduce_sum3A_183 = arith.constant dense<0> : vector<256xi32>
    %reduce_sum3A_184 = vector.multi_reduction <add>, %convert_element_type3A_182, %reduce_sum3A_183 [1] : vector<256x1024xi32> to vector<256xi32>
    %broadcast_in_dim3A_185 = vector.shape_cast %reduce_sum3A_184 : vector<256xi32> to vector<256x1xi32>
    %ge3A_186 = arith.constant 50 : i32
    %ge3A_187 = vector.broadcast %ge3A_186 : i32 to vector<256x1xi32>
    %ge3A_188 = arith.cmpi sge, %broadcast_in_dim3A_185, %ge3A_187 : vector<256x1xi32>
    %select_n3A_189 = arith.select %ge3A_188, %or3A_176, %select_n3A_173 : vector<256x1xi1>, vector<256x1xi32>
    %or3A_190 = arith.constant 2097152 : i32
    %or3A_191 = vector.broadcast %or3A_190 : i32 to vector<256x1xi32>
    %or3A_192 = arith.ori %select_n3A_189, %or3A_191 : vector<256x1xi32>
    %xor3A_193 = arith.constant -2147483648 : i32
    %xor3A_194 = vector.broadcast %xor3A_193 : i32 to vector<256x1xi32>
    %xor3A_195 = arith.xori %or3A_192, %xor3A_194 : vector<256x1xi32>
    %ge3A_196 = vector.broadcast %xor3A_195 : vector<256x1xi32> to vector<256x1024xi32>
    %ge3A_197 = arith.cmpi sge, %select_n3A, %ge3A_196 : vector<256x1024xi32>
    %convert_element_type3A_198 = arith.extui %ge3A_197 : vector<256x1024xi1> to vector<256x1024xi32>
    %reduce_sum3A_199 = arith.constant dense<0> : vector<256xi32>
    %reduce_sum3A_200 = vector.multi_reduction <add>, %convert_element_type3A_198, %reduce_sum3A_199 [1] : vector<256x1024xi32> to vector<256xi32>
    %broadcast_in_dim3A_201 = vector.shape_cast %reduce_sum3A_200 : vector<256xi32> to vector<256x1xi32>
    %ge3A_202 = arith.constant 50 : i32
    %ge3A_203 = vector.broadcast %ge3A_202 : i32 to vector<256x1xi32>
    %ge3A_204 = arith.cmpi sge, %broadcast_in_dim3A_201, %ge3A_203 : vector<256x1xi32>
    %select_n3A_205 = arith.select %ge3A_204, %or3A_192, %select_n3A_189 : vector<256x1xi1>, vector<256x1xi32>
    %or3A_206 = arith.constant 1048576 : i32
    %or3A_207 = vector.broadcast %or3A_206 : i32 to vector<256x1xi32>
    %or3A_208 = arith.ori %select_n3A_205, %or3A_207 : vector<256x1xi32>
    %xor3A_209 = arith.constant -2147483648 : i32
    %xor3A_210 = vector.broadcast %xor3A_209 : i32 to vector<256x1xi32>
    %xor3A_211 = arith.xori %or3A_208, %xor3A_210 : vector<256x1xi32>
    %ge3A_212 = vector.broadcast %xor3A_211 : vector<256x1xi32> to vector<256x1024xi32>
    %ge3A_213 = arith.cmpi sge, %select_n3A, %ge3A_212 : vector<256x1024xi32>
    %convert_element_type3A_214 = arith.extui %ge3A_213 : vector<256x1024xi1> to vector<256x1024xi32>
    %reduce_sum3A_215 = arith.constant dense<0> : vector<256xi32>
    %reduce_sum3A_216 = vector.multi_reduction <add>, %convert_element_type3A_214, %reduce_sum3A_215 [1] : vector<256x1024xi32> to vector<256xi32>
    %broadcast_in_dim3A_217 = vector.shape_cast %reduce_sum3A_216 : vector<256xi32> to vector<256x1xi32>
    %ge3A_218 = arith.constant 50 : i32
    %ge3A_219 = vector.broadcast %ge3A_218 : i32 to vector<256x1xi32>
    %ge3A_220 = arith.cmpi sge, %broadcast_in_dim3A_217, %ge3A_219 : vector<256x1xi32>
    %select_n3A_221 = arith.select %ge3A_220, %or3A_208, %select_n3A_205 : vector<256x1xi1>, vector<256x1xi32>
    %or3A_222 = arith.constant 524288 : i32
    %or3A_223 = vector.broadcast %or3A_222 : i32 to vector<256x1xi32>
    %or3A_224 = arith.ori %select_n3A_221, %or3A_223 : vector<256x1xi32>
    %xor3A_225 = arith.constant -2147483648 : i32
    %xor3A_226 = vector.broadcast %xor3A_225 : i32 to vector<256x1xi32>
    %xor3A_227 = arith.xori %or3A_224, %xor3A_226 : vector<256x1xi32>
    %ge3A_228 = vector.broadcast %xor3A_227 : vector<256x1xi32> to vector<256x1024xi32>
    %ge3A_229 = arith.cmpi sge, %select_n3A, %ge3A_228 : vector<256x1024xi32>
    %convert_element_type3A_230 = arith.extui %ge3A_229 : vector<256x1024xi1> to vector<256x1024xi32>
    %reduce_sum3A_231 = arith.constant dense<0> : vector<256xi32>
    %reduce_sum3A_232 = vector.multi_reduction <add>, %convert_element_type3A_230, %reduce_sum3A_231 [1] : vector<256x1024xi32> to vector<256xi32>
    %broadcast_in_dim3A_233 = vector.shape_cast %reduce_sum3A_232 : vector<256xi32> to vector<256x1xi32>
    %ge3A_234 = arith.constant 50 : i32
    %ge3A_235 = vector.broadcast %ge3A_234 : i32 to vector<256x1xi32>
    %ge3A_236 = arith.cmpi sge, %broadcast_in_dim3A_233, %ge3A_235 : vector<256x1xi32>
    %select_n3A_237 = arith.select %ge3A_236, %or3A_224, %select_n3A_221 : vector<256x1xi1>, vector<256x1xi32>
    %or3A_238 = arith.constant 262144 : i32
    %or3A_239 = vector.broadcast %or3A_238 : i32 to vector<256x1xi32>
    %or3A_240 = arith.ori %select_n3A_237, %or3A_239 : vector<256x1xi32>
    %xor3A_241 = arith.constant -2147483648 : i32
    %xor3A_242 = vector.broadcast %xor3A_241 : i32 to vector<256x1xi32>
    %xor3A_243 = arith.xori %or3A_240, %xor3A_242 : vector<256x1xi32>
    %ge3A_244 = vector.broadcast %xor3A_243 : vector<256x1xi32> to vector<256x1024xi32>
    %ge3A_245 = arith.cmpi sge, %select_n3A, %ge3A_244 : vector<256x1024xi32>
    %convert_element_type3A_246 = arith.extui %ge3A_245 : vector<256x1024xi1> to vector<256x1024xi32>
    %reduce_sum3A_247 = arith.constant dense<0> : vector<256xi32>
    %reduce_sum3A_248 = vector.multi_reduction <add>, %convert_element_type3A_246, %reduce_sum3A_247 [1] : vector<256x1024xi32> to vector<256xi32>
    %broadcast_in_dim3A_249 = vector.shape_cast %reduce_sum3A_248 : vector<256xi32> to vector<256x1xi32>
    %ge3A_250 = arith.constant 50 : i32
    %ge3A_251 = vector.broadcast %ge3A_250 : i32 to vector<256x1xi32>
    %ge3A_252 = arith.cmpi sge, %broadcast_in_dim3A_249, %ge3A_251 : vector<256x1xi32>
    %select_n3A_253 = arith.select %ge3A_252, %or3A_240, %select_n3A_237 : vector<256x1xi1>, vector<256x1xi32>
    %or3A_254 = arith.constant 131072 : i32
    %or3A_255 = vector.broadcast %or3A_254 : i32 to vector<256x1xi32>
    %or3A_256 = arith.ori %select_n3A_253, %or3A_255 : vector<256x1xi32>
    %xor3A_257 = arith.constant -2147483648 : i32
    %xor3A_258 = vector.broadcast %xor3A_257 : i32 to vector<256x1xi32>
    %xor3A_259 = arith.xori %or3A_256, %xor3A_258 : vector<256x1xi32>
    %ge3A_260 = vector.broadcast %xor3A_259 : vector<256x1xi32> to vector<256x1024xi32>
    %ge3A_261 = arith.cmpi sge, %select_n3A, %ge3A_260 : vector<256x1024xi32>
    %convert_element_type3A_262 = arith.extui %ge3A_261 : vector<256x1024xi1> to vector<256x1024xi32>
    %reduce_sum3A_263 = arith.constant dense<0> : vector<256xi32>
    %reduce_sum3A_264 = vector.multi_reduction <add>, %convert_element_type3A_262, %reduce_sum3A_263 [1] : vector<256x1024xi32> to vector<256xi32>
    %broadcast_in_dim3A_265 = vector.shape_cast %reduce_sum3A_264 : vector<256xi32> to vector<256x1xi32>
    %ge3A_266 = arith.constant 50 : i32
    %ge3A_267 = vector.broadcast %ge3A_266 : i32 to vector<256x1xi32>
    %ge3A_268 = arith.cmpi sge, %broadcast_in_dim3A_265, %ge3A_267 : vector<256x1xi32>
    %select_n3A_269 = arith.select %ge3A_268, %or3A_256, %select_n3A_253 : vector<256x1xi1>, vector<256x1xi32>
    %or3A_270 = arith.constant 65536 : i32
    %or3A_271 = vector.broadcast %or3A_270 : i32 to vector<256x1xi32>
    %or3A_272 = arith.ori %select_n3A_269, %or3A_271 : vector<256x1xi32>
    %xor3A_273 = arith.constant -2147483648 : i32
    %xor3A_274 = vector.broadcast %xor3A_273 : i32 to vector<256x1xi32>
    %xor3A_275 = arith.xori %or3A_272, %xor3A_274 : vector<256x1xi32>
    %ge3A_276 = vector.broadcast %xor3A_275 : vector<256x1xi32> to vector<256x1024xi32>
    %ge3A_277 = arith.cmpi sge, %select_n3A, %ge3A_276 : vector<256x1024xi32>
    %convert_element_type3A_278 = arith.extui %ge3A_277 : vector<256x1024xi1> to vector<256x1024xi32>
    %reduce_sum3A_279 = arith.constant dense<0> : vector<256xi32>
    %reduce_sum3A_280 = vector.multi_reduction <add>, %convert_element_type3A_278, %reduce_sum3A_279 [1] : vector<256x1024xi32> to vector<256xi32>
    %broadcast_in_dim3A_281 = vector.shape_cast %reduce_sum3A_280 : vector<256xi32> to vector<256x1xi32>
    %ge3A_282 = arith.constant 50 : i32
    %ge3A_283 = vector.broadcast %ge3A_282 : i32 to vector<256x1xi32>
    %ge3A_284 = arith.cmpi sge, %broadcast_in_dim3A_281, %ge3A_283 : vector<256x1xi32>
    %select_n3A_285 = arith.select %ge3A_284, %or3A_272, %select_n3A_269 : vector<256x1xi1>, vector<256x1xi32>
    %or3A_286 = arith.constant 32768 : i32
    %or3A_287 = vector.broadcast %or3A_286 : i32 to vector<256x1xi32>
    %or3A_288 = arith.ori %select_n3A_285, %or3A_287 : vector<256x1xi32>
    %xor3A_289 = arith.constant -2147483648 : i32
    %xor3A_290 = vector.broadcast %xor3A_289 : i32 to vector<256x1xi32>
    %xor3A_291 = arith.xori %or3A_288, %xor3A_290 : vector<256x1xi32>
    %ge3A_292 = vector.broadcast %xor3A_291 : vector<256x1xi32> to vector<256x1024xi32>
    %ge3A_293 = arith.cmpi sge, %select_n3A, %ge3A_292 : vector<256x1024xi32>
    %convert_element_type3A_294 = arith.extui %ge3A_293 : vector<256x1024xi1> to vector<256x1024xi32>
    %reduce_sum3A_295 = arith.constant dense<0> : vector<256xi32>
    %reduce_sum3A_296 = vector.multi_reduction <add>, %convert_element_type3A_294, %reduce_sum3A_295 [1] : vector<256x1024xi32> to vector<256xi32>
    %broadcast_in_dim3A_297 = vector.shape_cast %reduce_sum3A_296 : vector<256xi32> to vector<256x1xi32>
    %ge3A_298 = arith.constant 50 : i32
    %ge3A_299 = vector.broadcast %ge3A_298 : i32 to vector<256x1xi32>
    %ge3A_300 = arith.cmpi sge, %broadcast_in_dim3A_297, %ge3A_299 : vector<256x1xi32>
    %select_n3A_301 = arith.select %ge3A_300, %or3A_288, %select_n3A_285 : vector<256x1xi1>, vector<256x1xi32>
    %or3A_302 = arith.constant 16384 : i32
    %or3A_303 = vector.broadcast %or3A_302 : i32 to vector<256x1xi32>
    %or3A_304 = arith.ori %select_n3A_301, %or3A_303 : vector<256x1xi32>
    %xor3A_305 = arith.constant -2147483648 : i32
    %xor3A_306 = vector.broadcast %xor3A_305 : i32 to vector<256x1xi32>
    %xor3A_307 = arith.xori %or3A_304, %xor3A_306 : vector<256x1xi32>
    %ge3A_308 = vector.broadcast %xor3A_307 : vector<256x1xi32> to vector<256x1024xi32>
    %ge3A_309 = arith.cmpi sge, %select_n3A, %ge3A_308 : vector<256x1024xi32>
    %convert_element_type3A_310 = arith.extui %ge3A_309 : vector<256x1024xi1> to vector<256x1024xi32>
    %reduce_sum3A_311 = arith.constant dense<0> : vector<256xi32>
    %reduce_sum3A_312 = vector.multi_reduction <add>, %convert_element_type3A_310, %reduce_sum3A_311 [1] : vector<256x1024xi32> to vector<256xi32>
    %broadcast_in_dim3A_313 = vector.shape_cast %reduce_sum3A_312 : vector<256xi32> to vector<256x1xi32>
    %ge3A_314 = arith.constant 50 : i32
    %ge3A_315 = vector.broadcast %ge3A_314 : i32 to vector<256x1xi32>
    %ge3A_316 = arith.cmpi sge, %broadcast_in_dim3A_313, %ge3A_315 : vector<256x1xi32>
    %select_n3A_317 = arith.select %ge3A_316, %or3A_304, %select_n3A_301 : vector<256x1xi1>, vector<256x1xi32>
    %or3A_318 = arith.constant 8192 : i32
    %or3A_319 = vector.broadcast %or3A_318 : i32 to vector<256x1xi32>
    %or3A_320 = arith.ori %select_n3A_317, %or3A_319 : vector<256x1xi32>
    %xor3A_321 = arith.constant -2147483648 : i32
    %xor3A_322 = vector.broadcast %xor3A_321 : i32 to vector<256x1xi32>
    %xor3A_323 = arith.xori %or3A_320, %xor3A_322 : vector<256x1xi32>
    %ge3A_324 = vector.broadcast %xor3A_323 : vector<256x1xi32> to vector<256x1024xi32>
    %ge3A_325 = arith.cmpi sge, %select_n3A, %ge3A_324 : vector<256x1024xi32>
    %convert_element_type3A_326 = arith.extui %ge3A_325 : vector<256x1024xi1> to vector<256x1024xi32>
    %reduce_sum3A_327 = arith.constant dense<0> : vector<256xi32>
    %reduce_sum3A_328 = vector.multi_reduction <add>, %convert_element_type3A_326, %reduce_sum3A_327 [1] : vector<256x1024xi32> to vector<256xi32>
    %broadcast_in_dim3A_329 = vector.shape_cast %reduce_sum3A_328 : vector<256xi32> to vector<256x1xi32>
    %ge3A_330 = arith.constant 50 : i32
    %ge3A_331 = vector.broadcast %ge3A_330 : i32 to vector<256x1xi32>
    %ge3A_332 = arith.cmpi sge, %broadcast_in_dim3A_329, %ge3A_331 : vector<256x1xi32>
    %select_n3A_333 = arith.select %ge3A_332, %or3A_320, %select_n3A_317 : vector<256x1xi1>, vector<256x1xi32>
    %or3A_334 = arith.constant 4096 : i32
    %or3A_335 = vector.broadcast %or3A_334 : i32 to vector<256x1xi32>
    %or3A_336 = arith.ori %select_n3A_333, %or3A_335 : vector<256x1xi32>
    %xor3A_337 = arith.constant -2147483648 : i32
    %xor3A_338 = vector.broadcast %xor3A_337 : i32 to vector<256x1xi32>
    %xor3A_339 = arith.xori %or3A_336, %xor3A_338 : vector<256x1xi32>
    %ge3A_340 = vector.broadcast %xor3A_339 : vector<256x1xi32> to vector<256x1024xi32>
    %ge3A_341 = arith.cmpi sge, %select_n3A, %ge3A_340 : vector<256x1024xi32>
    %convert_element_type3A_342 = arith.extui %ge3A_341 : vector<256x1024xi1> to vector<256x1024xi32>
    %reduce_sum3A_343 = arith.constant dense<0> : vector<256xi32>
    %reduce_sum3A_344 = vector.multi_reduction <add>, %convert_element_type3A_342, %reduce_sum3A_343 [1] : vector<256x1024xi32> to vector<256xi32>
    %broadcast_in_dim3A_345 = vector.shape_cast %reduce_sum3A_344 : vector<256xi32> to vector<256x1xi32>
    %ge3A_346 = arith.constant 50 : i32
    %ge3A_347 = vector.broadcast %ge3A_346 : i32 to vector<256x1xi32>
    %ge3A_348 = arith.cmpi sge, %broadcast_in_dim3A_345, %ge3A_347 : vector<256x1xi32>
    %select_n3A_349 = arith.select %ge3A_348, %or3A_336, %select_n3A_333 : vector<256x1xi1>, vector<256x1xi32>
    %or3A_350 = arith.constant 2048 : i32
    %or3A_351 = vector.broadcast %or3A_350 : i32 to vector<256x1xi32>
    %or3A_352 = arith.ori %select_n3A_349, %or3A_351 : vector<256x1xi32>
    %xor3A_353 = arith.constant -2147483648 : i32
    %xor3A_354 = vector.broadcast %xor3A_353 : i32 to vector<256x1xi32>
    %xor3A_355 = arith.xori %or3A_352, %xor3A_354 : vector<256x1xi32>
    %ge3A_356 = vector.broadcast %xor3A_355 : vector<256x1xi32> to vector<256x1024xi32>
    %ge3A_357 = arith.cmpi sge, %select_n3A, %ge3A_356 : vector<256x1024xi32>
    %convert_element_type3A_358 = arith.extui %ge3A_357 : vector<256x1024xi1> to vector<256x1024xi32>
    %reduce_sum3A_359 = arith.constant dense<0> : vector<256xi32>
    %reduce_sum3A_360 = vector.multi_reduction <add>, %convert_element_type3A_358, %reduce_sum3A_359 [1] : vector<256x1024xi32> to vector<256xi32>
    %broadcast_in_dim3A_361 = vector.shape_cast %reduce_sum3A_360 : vector<256xi32> to vector<256x1xi32>
    %ge3A_362 = arith.constant 50 : i32
    %ge3A_363 = vector.broadcast %ge3A_362 : i32 to vector<256x1xi32>
    %ge3A_364 = arith.cmpi sge, %broadcast_in_dim3A_361, %ge3A_363 : vector<256x1xi32>
    %select_n3A_365 = arith.select %ge3A_364, %or3A_352, %select_n3A_349 : vector<256x1xi1>, vector<256x1xi32>
    %or3A_366 = arith.constant 1024 : i32
    %or3A_367 = vector.broadcast %or3A_366 : i32 to vector<256x1xi32>
    %or3A_368 = arith.ori %select_n3A_365, %or3A_367 : vector<256x1xi32>
    %xor3A_369 = arith.constant -2147483648 : i32
    %xor3A_370 = vector.broadcast %xor3A_369 : i32 to vector<256x1xi32>
    %xor3A_371 = arith.xori %or3A_368, %xor3A_370 : vector<256x1xi32>
    %ge3A_372 = vector.broadcast %xor3A_371 : vector<256x1xi32> to vector<256x1024xi32>
    %ge3A_373 = arith.cmpi sge, %select_n3A, %ge3A_372 : vector<256x1024xi32>
    %convert_element_type3A_374 = arith.extui %ge3A_373 : vector<256x1024xi1> to vector<256x1024xi32>
    %reduce_sum3A_375 = arith.constant dense<0> : vector<256xi32>
    %reduce_sum3A_376 = vector.multi_reduction <add>, %convert_element_type3A_374, %reduce_sum3A_375 [1] : vector<256x1024xi32> to vector<256xi32>
    %broadcast_in_dim3A_377 = vector.shape_cast %reduce_sum3A_376 : vector<256xi32> to vector<256x1xi32>
    %ge3A_378 = arith.constant 50 : i32
    %ge3A_379 = vector.broadcast %ge3A_378 : i32 to vector<256x1xi32>
    %ge3A_380 = arith.cmpi sge, %broadcast_in_dim3A_377, %ge3A_379 : vector<256x1xi32>
    %select_n3A_381 = arith.select %ge3A_380, %or3A_368, %select_n3A_365 : vector<256x1xi1>, vector<256x1xi32>
    %or3A_382 = arith.constant 512 : i32
    %or3A_383 = vector.broadcast %or3A_382 : i32 to vector<256x1xi32>
    %or3A_384 = arith.ori %select_n3A_381, %or3A_383 : vector<256x1xi32>
    %xor3A_385 = arith.constant -2147483648 : i32
    %xor3A_386 = vector.broadcast %xor3A_385 : i32 to vector<256x1xi32>
    %xor3A_387 = arith.xori %or3A_384, %xor3A_386 : vector<256x1xi32>
    %ge3A_388 = vector.broadcast %xor3A_387 : vector<256x1xi32> to vector<256x1024xi32>
    %ge3A_389 = arith.cmpi sge, %select_n3A, %ge3A_388 : vector<256x1024xi32>
    %convert_element_type3A_390 = arith.extui %ge3A_389 : vector<256x1024xi1> to vector<256x1024xi32>
    %reduce_sum3A_391 = arith.constant dense<0> : vector<256xi32>
    %reduce_sum3A_392 = vector.multi_reduction <add>, %convert_element_type3A_390, %reduce_sum3A_391 [1] : vector<256x1024xi32> to vector<256xi32>
    %broadcast_in_dim3A_393 = vector.shape_cast %reduce_sum3A_392 : vector<256xi32> to vector<256x1xi32>
    %ge3A_394 = arith.constant 50 : i32
    %ge3A_395 = vector.broadcast %ge3A_394 : i32 to vector<256x1xi32>
    %ge3A_396 = arith.cmpi sge, %broadcast_in_dim3A_393, %ge3A_395 : vector<256x1xi32>
    %select_n3A_397 = arith.select %ge3A_396, %or3A_384, %select_n3A_381 : vector<256x1xi1>, vector<256x1xi32>
    %or3A_398 = arith.constant 256 : i32
    %or3A_399 = vector.broadcast %or3A_398 : i32 to vector<256x1xi32>
    %or3A_400 = arith.ori %select_n3A_397, %or3A_399 : vector<256x1xi32>
    %xor3A_401 = arith.constant -2147483648 : i32
    %xor3A_402 = vector.broadcast %xor3A_401 : i32 to vector<256x1xi32>
    %xor3A_403 = arith.xori %or3A_400, %xor3A_402 : vector<256x1xi32>
    %ge3A_404 = vector.broadcast %xor3A_403 : vector<256x1xi32> to vector<256x1024xi32>
    %ge3A_405 = arith.cmpi sge, %select_n3A, %ge3A_404 : vector<256x1024xi32>
    %convert_element_type3A_406 = arith.extui %ge3A_405 : vector<256x1024xi1> to vector<256x1024xi32>
    %reduce_sum3A_407 = arith.constant dense<0> : vector<256xi32>
    %reduce_sum3A_408 = vector.multi_reduction <add>, %convert_element_type3A_406, %reduce_sum3A_407 [1] : vector<256x1024xi32> to vector<256xi32>
    %broadcast_in_dim3A_409 = vector.shape_cast %reduce_sum3A_408 : vector<256xi32> to vector<256x1xi32>
    %ge3A_410 = arith.constant 50 : i32
    %ge3A_411 = vector.broadcast %ge3A_410 : i32 to vector<256x1xi32>
    %ge3A_412 = arith.cmpi sge, %broadcast_in_dim3A_409, %ge3A_411 : vector<256x1xi32>
    %select_n3A_413 = arith.select %ge3A_412, %or3A_400, %select_n3A_397 : vector<256x1xi1>, vector<256x1xi32>
    %or3A_414 = arith.constant 128 : i32
    %or3A_415 = vector.broadcast %or3A_414 : i32 to vector<256x1xi32>
    %or3A_416 = arith.ori %select_n3A_413, %or3A_415 : vector<256x1xi32>
    %xor3A_417 = arith.constant -2147483648 : i32
    %xor3A_418 = vector.broadcast %xor3A_417 : i32 to vector<256x1xi32>
    %xor3A_419 = arith.xori %or3A_416, %xor3A_418 : vector<256x1xi32>
    %ge3A_420 = vector.broadcast %xor3A_419 : vector<256x1xi32> to vector<256x1024xi32>
    %ge3A_421 = arith.cmpi sge, %select_n3A, %ge3A_420 : vector<256x1024xi32>
    %convert_element_type3A_422 = arith.extui %ge3A_421 : vector<256x1024xi1> to vector<256x1024xi32>
    %reduce_sum3A_423 = arith.constant dense<0> : vector<256xi32>
    %reduce_sum3A_424 = vector.multi_reduction <add>, %convert_element_type3A_422, %reduce_sum3A_423 [1] : vector<256x1024xi32> to vector<256xi32>
    %broadcast_in_dim3A_425 = vector.shape_cast %reduce_sum3A_424 : vector<256xi32> to vector<256x1xi32>
    %ge3A_426 = arith.constant 50 : i32
    %ge3A_427 = vector.broadcast %ge3A_426 : i32 to vector<256x1xi32>
    %ge3A_428 = arith.cmpi sge, %broadcast_in_dim3A_425, %ge3A_427 : vector<256x1xi32>
    %select_n3A_429 = arith.select %ge3A_428, %or3A_416, %select_n3A_413 : vector<256x1xi1>, vector<256x1xi32>
    %or3A_430 = arith.constant 64 : i32
    %or3A_431 = vector.broadcast %or3A_430 : i32 to vector<256x1xi32>
    %or3A_432 = arith.ori %select_n3A_429, %or3A_431 : vector<256x1xi32>
    %xor3A_433 = arith.constant -2147483648 : i32
    %xor3A_434 = vector.broadcast %xor3A_433 : i32 to vector<256x1xi32>
    %xor3A_435 = arith.xori %or3A_432, %xor3A_434 : vector<256x1xi32>
    %ge3A_436 = vector.broadcast %xor3A_435 : vector<256x1xi32> to vector<256x1024xi32>
    %ge3A_437 = arith.cmpi sge, %select_n3A, %ge3A_436 : vector<256x1024xi32>
    %convert_element_type3A_438 = arith.extui %ge3A_437 : vector<256x1024xi1> to vector<256x1024xi32>
    %reduce_sum3A_439 = arith.constant dense<0> : vector<256xi32>
    %reduce_sum3A_440 = vector.multi_reduction <add>, %convert_element_type3A_438, %reduce_sum3A_439 [1] : vector<256x1024xi32> to vector<256xi32>
    %broadcast_in_dim3A_441 = vector.shape_cast %reduce_sum3A_440 : vector<256xi32> to vector<256x1xi32>
    %ge3A_442 = arith.constant 50 : i32
    %ge3A_443 = vector.broadcast %ge3A_442 : i32 to vector<256x1xi32>
    %ge3A_444 = arith.cmpi sge, %broadcast_in_dim3A_441, %ge3A_443 : vector<256x1xi32>
    %select_n3A_445 = arith.select %ge3A_444, %or3A_432, %select_n3A_429 : vector<256x1xi1>, vector<256x1xi32>
    %or3A_446 = arith.constant 32 : i32
    %or3A_447 = vector.broadcast %or3A_446 : i32 to vector<256x1xi32>
    %or3A_448 = arith.ori %select_n3A_445, %or3A_447 : vector<256x1xi32>
    %xor3A_449 = arith.constant -2147483648 : i32
    %xor3A_450 = vector.broadcast %xor3A_449 : i32 to vector<256x1xi32>
    %xor3A_451 = arith.xori %or3A_448, %xor3A_450 : vector<256x1xi32>
    %ge3A_452 = vector.broadcast %xor3A_451 : vector<256x1xi32> to vector<256x1024xi32>
    %ge3A_453 = arith.cmpi sge, %select_n3A, %ge3A_452 : vector<256x1024xi32>
    %convert_element_type3A_454 = arith.extui %ge3A_453 : vector<256x1024xi1> to vector<256x1024xi32>
    %reduce_sum3A_455 = arith.constant dense<0> : vector<256xi32>
    %reduce_sum3A_456 = vector.multi_reduction <add>, %convert_element_type3A_454, %reduce_sum3A_455 [1] : vector<256x1024xi32> to vector<256xi32>
    %broadcast_in_dim3A_457 = vector.shape_cast %reduce_sum3A_456 : vector<256xi32> to vector<256x1xi32>
    %ge3A_458 = arith.constant 50 : i32
    %ge3A_459 = vector.broadcast %ge3A_458 : i32 to vector<256x1xi32>
    %ge3A_460 = arith.cmpi sge, %broadcast_in_dim3A_457, %ge3A_459 : vector<256x1xi32>
    %select_n3A_461 = arith.select %ge3A_460, %or3A_448, %select_n3A_445 : vector<256x1xi1>, vector<256x1xi32>
    %or3A_462 = arith.constant 16 : i32
    %or3A_463 = vector.broadcast %or3A_462 : i32 to vector<256x1xi32>
    %or3A_464 = arith.ori %select_n3A_461, %or3A_463 : vector<256x1xi32>
    %xor3A_465 = arith.constant -2147483648 : i32
    %xor3A_466 = vector.broadcast %xor3A_465 : i32 to vector<256x1xi32>
    %xor3A_467 = arith.xori %or3A_464, %xor3A_466 : vector<256x1xi32>
    %ge3A_468 = vector.broadcast %xor3A_467 : vector<256x1xi32> to vector<256x1024xi32>
    %ge3A_469 = arith.cmpi sge, %select_n3A, %ge3A_468 : vector<256x1024xi32>
    %convert_element_type3A_470 = arith.extui %ge3A_469 : vector<256x1024xi1> to vector<256x1024xi32>
    %reduce_sum3A_471 = arith.constant dense<0> : vector<256xi32>
    %reduce_sum3A_472 = vector.multi_reduction <add>, %convert_element_type3A_470, %reduce_sum3A_471 [1] : vector<256x1024xi32> to vector<256xi32>
    %broadcast_in_dim3A_473 = vector.shape_cast %reduce_sum3A_472 : vector<256xi32> to vector<256x1xi32>
    %ge3A_474 = arith.constant 50 : i32
    %ge3A_475 = vector.broadcast %ge3A_474 : i32 to vector<256x1xi32>
    %ge3A_476 = arith.cmpi sge, %broadcast_in_dim3A_473, %ge3A_475 : vector<256x1xi32>
    %select_n3A_477 = arith.select %ge3A_476, %or3A_464, %select_n3A_461 : vector<256x1xi1>, vector<256x1xi32>
    %or3A_478 = arith.constant 8 : i32
    %or3A_479 = vector.broadcast %or3A_478 : i32 to vector<256x1xi32>
    %or3A_480 = arith.ori %select_n3A_477, %or3A_479 : vector<256x1xi32>
    %xor3A_481 = arith.constant -2147483648 : i32
    %xor3A_482 = vector.broadcast %xor3A_481 : i32 to vector<256x1xi32>
    %xor3A_483 = arith.xori %or3A_480, %xor3A_482 : vector<256x1xi32>
    %ge3A_484 = vector.broadcast %xor3A_483 : vector<256x1xi32> to vector<256x1024xi32>
    %ge3A_485 = arith.cmpi sge, %select_n3A, %ge3A_484 : vector<256x1024xi32>
    %convert_element_type3A_486 = arith.extui %ge3A_485 : vector<256x1024xi1> to vector<256x1024xi32>
    %reduce_sum3A_487 = arith.constant dense<0> : vector<256xi32>
    %reduce_sum3A_488 = vector.multi_reduction <add>, %convert_element_type3A_486, %reduce_sum3A_487 [1] : vector<256x1024xi32> to vector<256xi32>
    %broadcast_in_dim3A_489 = vector.shape_cast %reduce_sum3A_488 : vector<256xi32> to vector<256x1xi32>
    %ge3A_490 = arith.constant 50 : i32
    %ge3A_491 = vector.broadcast %ge3A_490 : i32 to vector<256x1xi32>
    %ge3A_492 = arith.cmpi sge, %broadcast_in_dim3A_489, %ge3A_491 : vector<256x1xi32>
    %select_n3A_493 = arith.select %ge3A_492, %or3A_480, %select_n3A_477 : vector<256x1xi1>, vector<256x1xi32>
    %or3A_494 = arith.constant 4 : i32
    %or3A_495 = vector.broadcast %or3A_494 : i32 to vector<256x1xi32>
    %or3A_496 = arith.ori %select_n3A_493, %or3A_495 : vector<256x1xi32>
    %xor3A_497 = arith.constant -2147483648 : i32
    %xor3A_498 = vector.broadcast %xor3A_497 : i32 to vector<256x1xi32>
    %xor3A_499 = arith.xori %or3A_496, %xor3A_498 : vector<256x1xi32>
    %ge3A_500 = vector.broadcast %xor3A_499 : vector<256x1xi32> to vector<256x1024xi32>
    %ge3A_501 = arith.cmpi sge, %select_n3A, %ge3A_500 : vector<256x1024xi32>
    %convert_element_type3A_502 = arith.extui %ge3A_501 : vector<256x1024xi1> to vector<256x1024xi32>
    %reduce_sum3A_503 = arith.constant dense<0> : vector<256xi32>
    %reduce_sum3A_504 = vector.multi_reduction <add>, %convert_element_type3A_502, %reduce_sum3A_503 [1] : vector<256x1024xi32> to vector<256xi32>
    %broadcast_in_dim3A_505 = vector.shape_cast %reduce_sum3A_504 : vector<256xi32> to vector<256x1xi32>
    %ge3A_506 = arith.constant 50 : i32
    %ge3A_507 = vector.broadcast %ge3A_506 : i32 to vector<256x1xi32>
    %ge3A_508 = arith.cmpi sge, %broadcast_in_dim3A_505, %ge3A_507 : vector<256x1xi32>
    %select_n3A_509 = arith.select %ge3A_508, %or3A_496, %select_n3A_493 : vector<256x1xi1>, vector<256x1xi32>
    %or3A_510 = arith.constant 2 : i32
    %or3A_511 = vector.broadcast %or3A_510 : i32 to vector<256x1xi32>
    %or3A_512 = arith.ori %select_n3A_509, %or3A_511 : vector<256x1xi32>
    %xor3A_513 = arith.constant -2147483648 : i32
    %xor3A_514 = vector.broadcast %xor3A_513 : i32 to vector<256x1xi32>
    %xor3A_515 = arith.xori %or3A_512, %xor3A_514 : vector<256x1xi32>
    %ge3A_516 = vector.broadcast %xor3A_515 : vector<256x1xi32> to vector<256x1024xi32>
    %ge3A_517 = arith.cmpi sge, %select_n3A, %ge3A_516 : vector<256x1024xi32>
    %convert_element_type3A_518 = arith.extui %ge3A_517 : vector<256x1024xi1> to vector<256x1024xi32>
    %reduce_sum3A_519 = arith.constant dense<0> : vector<256xi32>
    %reduce_sum3A_520 = vector.multi_reduction <add>, %convert_element_type3A_518, %reduce_sum3A_519 [1] : vector<256x1024xi32> to vector<256xi32>
    %broadcast_in_dim3A_521 = vector.shape_cast %reduce_sum3A_520 : vector<256xi32> to vector<256x1xi32>
    %ge3A_522 = arith.constant 50 : i32
    %ge3A_523 = vector.broadcast %ge3A_522 : i32 to vector<256x1xi32>
    %ge3A_524 = arith.cmpi sge, %broadcast_in_dim3A_521, %ge3A_523 : vector<256x1xi32>
    %select_n3A_525 = arith.select %ge3A_524, %or3A_512, %select_n3A_509 : vector<256x1xi1>, vector<256x1xi32>
    %or3A_526 = arith.constant 1 : i32
    %or3A_527 = vector.broadcast %or3A_526 : i32 to vector<256x1xi32>
    %or3A_528 = arith.ori %select_n3A_525, %or3A_527 : vector<256x1xi32>
    %xor3A_529 = arith.constant -2147483648 : i32
    %xor3A_530 = vector.broadcast %xor3A_529 : i32 to vector<256x1xi32>
    %xor3A_531 = arith.xori %or3A_528, %xor3A_530 : vector<256x1xi32>
    %ge3A_532 = vector.broadcast %xor3A_531 : vector<256x1xi32> to vector<256x1024xi32>
    %ge3A_533 = arith.cmpi sge, %select_n3A, %ge3A_532 : vector<256x1024xi32>
    %convert_element_type3A_534 = arith.extui %ge3A_533 : vector<256x1024xi1> to vector<256x1024xi32>
    %reduce_sum3A_535 = arith.constant dense<0> : vector<256xi32>
    %reduce_sum3A_536 = vector.multi_reduction <add>, %convert_element_type3A_534, %reduce_sum3A_535 [1] : vector<256x1024xi32> to vector<256xi32>
    %broadcast_in_dim3A_537 = vector.shape_cast %reduce_sum3A_536 : vector<256xi32> to vector<256x1xi32>
    %ge3A_538 = arith.constant 50 : i32
    %ge3A_539 = vector.broadcast %ge3A_538 : i32 to vector<256x1xi32>
    %ge3A_540 = arith.cmpi sge, %broadcast_in_dim3A_537, %ge3A_539 : vector<256x1xi32>
    %select_n3A_541 = arith.select %ge3A_540, %or3A_528, %select_n3A_525 : vector<256x1xi1>, vector<256x1xi32>
    %xor3A_542 = arith.constant -2147483648 : i32
    %xor3A_543 = vector.broadcast %xor3A_542 : i32 to vector<256x1xi32>
    %xor3A_544 = arith.xori %select_n3A_541, %xor3A_543 : vector<256x1xi32>
    %ge3A_545 = vector.broadcast %xor3A_544 : vector<256x1xi32> to vector<256x1024xi32>
    %ge3A_546 = arith.cmpi sge, %select_n3A, %ge3A_545 : vector<256x1024xi32>
    %convert_element_type3A_547 = arith.extui %ge3A_546 : vector<256x1024xi1> to vector<256x1024xi32>
    %convert_element_type3A_548 = arith.sitofp %convert_element_type3A_547 : vector<256x1024xi32> to vector<256x1024xf32>
    %swap3A = arith.constant 0 : index
    %swap3A_549 = arith.constant 0 : index
    %swap3A_550 = vector.load %arg6[%swap3A, %swap3A_549] : memref<256x1024xf32, #tpu.memory_space<vmem>>, vector<256x1024xf32>
    tpu.vector_store %arg6[%swap3A, %swap3A_549], %convert_element_type3A_548 {strides = array<i32>} : memref<256x1024xf32, #tpu.memory_space<vmem>>, vector<256x1024xf32>,
    return
  }
  func.func @transform_0(%arg0: i32) -> (i32, i32) {
    %c0_i32 = arith.constant 0 : i32
    %c0_i32_0 = arith.constant 0 : i32
    return %arg0, %c0_i32 : i32, i32
  }
  func.func @transform_1(%arg0: i32) -> (i32, i32) {
    %c0_i32 = arith.constant 0 : i32
    %c0_i32_0 = arith.constant 0 : i32
    %c0_i32_1 = arith.constant 0 : i32
    return %c0_i32, %c0_i32_0 : i32, i32
  }
  func.func @transform_2(%arg0: i32) -> (i32, i32) {
    %c0_i32 = arith.constant 0 : i32
    %c0_i32_0 = arith.constant 0 : i32
    %c0_i32_1 = arith.constant 0 : i32
    return %c0_i32, %c0_i32_0 : i32, i32
  }
  func.func @transform_3(%arg0: i32) -> (i32, i32) {
    %c0_i32 = arith.constant 0 : i32
    %c0_i32_0 = arith.constant 0 : i32
    %c0_i32_1 = arith.constant 0 : i32
    return %c0_i32, %c0_i32_0 : i32, i32
  }
  func.func @transform_4(%arg0: i32) -> (i32, i32) {
    %c0_i32 = arith.constant 0 : i32
    %c0_i32_0 = arith.constant 0 : i32
    %c0_i32_1 = arith.constant 0 : i32
    return %c0_i32, %c0_i32_0 : i32, i32
  }
  func.func @transform_5(%arg0: i32) -> (i32, i32) {
    %c0_i32 = arith.constant 0 : i32
    %c0_i32_0 = arith.constant 0 : i32
    return %arg0, %c0_i32 : i32, i32
  }
}

</mosaic_0001>

<sc_bundles>
// kernel: kernel.4.cloned.1.call-start
scs
__scs_entry_jumppad:
0x0: {  	(pc) =	sbr.rel $0x88, $3  }
0x1: {  	(tag) =	ssettag $0x0;
	lr =	simm.s32 $0x1  }
0x2: {  	[smem:$0x3F9B] =	sst lr;
	_ =	strace $0xD0000000  }
0x3: {  	_ = 	snop  }
0x4: {  	_ = 	snop  }
0x5: {  	_ = 	snop  }
0x6: {  	_ = 	snop  }
0x7: {  	_ = 	snop  }
__scs_overlays_trampoline_lowered:
0x8: {  	[smem:$0x3FAA] =	sst s0  }
0x9: {  	[smem:$0x3FAB] =	sst s1  }
0xa: {  	[smem:$0x3FAC] =	sst s2  }
0xb: {  	[smem:$0x3FAD] =	sst s3  }
0xc: {  	[smem:$0x3FAE] =	sst s4  }
0xd: {  	[smem:$0x3FAF] =	sst s5  }
0xe: {  	[smem:$0x3FB0] =	sst s6  }
0xf: {  	[smem:$0x3FB1] =	sst s7  }
0x10: {  	[smem:$0x3FB2] =	sst s8  }
0x11: {  	[smem:$0x3FB3] =	sst s9;
	s0 =	simm.s32 @!p0 $0x0  }
0x12: {  	s1 =	sld [smem:$0x3F99];
	s0 =	simm.s32 @p0 $0x1  }
0x13: {  	[smem:$0x3FB4] =	sst s0;
	s0 =	simm.s32 @!p1 $0x0  }
0x14: {  	s2 =	sld [smem:$0x3F98];
	s0 =	simm.s32 @p1 $0x1  }
0x15: {  	[smem:$0x3FB5] =	sst s0;
	s0 =	simm.s32 @!p2 $0x0  }
0x16: {  	s3 =	sld [smem:$0x3FDB];
	s0 =	simm.s32 @p2 $0x1  }
0x17: {  	s4 =	simm.s32 $0x1BF5;
	[smem:$0x3FB7] =	sst s0  }
0x18: {  	s0 =	sld [smem:$0x3F9A];
	_ =	swait.ge [sflag:s4], $0x0  }
0x19: {  	s7 =	sld [smem:$0x3F9B]  }
0x1a: {  	s8 =	sadd.s32 $0xFFFFE003, lr  }
0x1b: {  	s9 =	sadd.s32 $0xFFFFFEF7, lr;
	s5 =	simm.s32 $0xFFFFFFFF;
	p2 =	slt.u32 s8, $0xFFFFF086  }
0x1c: {  	p1 =	slt.u32 s9, $0xF7A;
	s5 =	simm.s32 @!p2 $0x0  }
0x1d: {  	s5 =	simm.s32 @p1 $0x1;
	p0 =	seq.s32 s7, s2  }
0x1e: {  	s7 =	smul.u32 @!p0 $0xF7A, s2;
	p2 =	seq.s32 @!p0 s5, $0x0  }
0x1f: {  	s9 =	smul.u32 $0xF7A, s1;
	s8 =	simm.s32 @!p0 $0x1BF5;
	p2 =	por !p2, p0  }
0x20: {  	[sflag:s8] =	ssyncset.s32 @!p0 $0xFFFFF086;
	s6 =	sadd.s32 @!p0 s3, s7;
	s7 =	simm.s32 @!p0 $0x108  }
0x21: {  	s3 =	sadd.s32 s3, s9;
	s6 =	sadd.s32 @!p0 $0x88, s6;
	s7 =	simm.s32 @p2 $0x1082  }
0x22: {  	[simem:s7], [sflag:s8] =	dma.local @!p0 [hbm:s6], $0xF7A  }
0x23: {  	s9 =	sor.u32 $0xD0000000, s2;
	s6 =	simm.s32 $0x108;
	_ =	swait.ge @!p0 [sflag:s8], $0x0  }
0x24: {  	s3 =	sadd.s32 $0x88, s3;
	s6 =	simm.s32 @!p1 $0x1082;
	[sflag:s4] =	ssyncset.s32 $0xFFFFF086  }
0x25: {  	[simem:s6], [sflag:s4] =	dma.local [hbm:s3], $0xF7A  }
0x26: {  	[smem:$0x3F9B] =	sst s1;
	(tag) =	ssettag s2;
	_ =	strace s9  }
0x27: {  	s1 =	sld [smem:$0x3FAB]  }
0x28: {  	s2 =	sld [smem:$0x3FAC]  }
0x29: {  	s4 =	sld [smem:$0x3FAE]  }
0x2a: {  	p0 =	seq.s32 s5, $0x0;
	s5 =	sld [smem:$0x3FAF]  }
0x2b: {  	s6 =	sld [smem:$0x3FB0]  }
0x2c: {  	s7 =	sld [smem:$0x3FB1]  }
0x2d: {  	s3 =	simm.s32 $0x108;
	s8 =	sld [smem:$0x3FB2]  }
0x2e: {  	s3 =	simm.s32 @!p0 $0x1082;
	s9 =	sld [smem:$0x3FB3]  }
0x2f: {  	lr =	sadd.s32 s0, s3;
	s0 =	sld [smem:$0x3FAA]  }
0x30: {  	s3 =	sld [smem:$0x3FAD]  }
0x31: {  	[smem:$0x3FB6] =	sst s10  }
0x32: {  	s10 =	sld [smem:$0x3FB4];
	_ =	sdelay $0x3  }
0x33: {  	p0 =	seq.s32 s10, $0x1;
	s10 =	sld [smem:$0x3FB6];
	_ =	sdelay $0x3  }
0x34: {  	[smem:$0x3FB6] =	sst s10  }
0x35: {  	s10 =	sld [smem:$0x3FB5];
	_ =	sdelay $0x3  }
0x36: {  	p1 =	seq.s32 s10, $0x1;
	s10 =	sld [smem:$0x3FB6];
	_ =	sdelay $0x3  }
0x37: {  	[smem:$0x3FB6] =	sst s10  }
0x38: {  	s10 =	sld [smem:$0x3FB7]  }
0x39: {  	_ = 	snop;
	(pc) =	sbr.ind lr, $3  }
0x3a: {  	_ = 	snop  }
0x3b: {  	_ = 	snop  }
0x3c: {  	p2 =	seq.s32 s10, $0x1;
	s10 =	sld [smem:$0x3FB6]  }
0x3d: {  	_ =	shalt  }
0x3e: {  	_ =	shalt  }
0x3f: {  	_ =	shalt  }
0x40: {  	_ =	shalt  }
0x41: {  	_ =	shalt  }
0x42: {  	_ =	shalt  }
0x43: {  	_ =	shalt  }
0x44: {  	_ =	shalt  }
0x45: {  	_ =	shalt  }
0x46: {  	_ =	shalt  }
0x47: {  	_ =	shalt  }
0x48: {  	_ =	shalt  }
0x49: {  	_ =	shalt  }
0x4a: {  	_ =	shalt  }
0x4b: {  	_ =	shalt  }
0x4c: {  	_ =	shalt  }
0x4d: {  	_ =	shalt  }
0x4e: {  	_ =	shalt  }
0x4f: {  	_ =	shalt  }
0x50: {  	_ =	shalt  }
0x51: {  	_ =	shalt  }
0x52: {  	_ =	shalt  }
0x53: {  	_ =	shalt  }
0x54: {  	_ =	shalt  }
0x55: {  	_ =	shalt  }
0x56: {  	_ =	shalt  }
0x57: {  	_ =	shalt  }
0x58: {  	_ =	shalt  }
0x59: {  	_ =	shalt  }
0x5a: {  	_ =	shalt  }
0x5b: {  	_ =	shalt  }
0x5c: {  	_ =	shalt  }
0x5d: {  	_ =	shalt  }
0x5e: {  	_ =	shalt  }
0x5f: {  	_ =	shalt  }
0x60: {  	_ =	shalt  }
0x61: {  	_ =	shalt  }
0x62: {  	_ =	shalt  }
0x63: {  	_ =	shalt  }
0x64: {  	_ =	shalt  }
0x65: {  	_ =	shalt  }
0x66: {  	_ =	shalt  }
0x67: {  	_ =	shalt  }
0x68: {  	_ =	shalt  }
0x69: {  	_ =	shalt  }
0x6a: {  	_ =	shalt  }
0x6b: {  	_ =	shalt  }
0x6c: {  	_ =	shalt  }
0x6d: {  	_ =	shalt  }
0x6e: {  	_ =	shalt  }
0x6f: {  	_ =	shalt  }
0x70: {  	_ =	shalt  }
0x71: {  	_ =	shalt  }
0x72: {  	_ =	shalt  }
0x73: {  	_ =	shalt  }
0x74: {  	_ =	shalt  }
0x75: {  	_ =	shalt  }
0x76: {  	_ =	shalt  }
0x77: {  	_ =	shalt  }
0x78: {  	_ =	shalt  }
0x79: {  	_ =	shalt  }
0x7a: {  	_ =	shalt  }
0x7b: {  	_ =	shalt  }
0x7c: {  	_ =	shalt  }
0x7d: {  	_ =	shalt  }
0x7e: {  	_ =	shalt  }
0x7f: {  	_ =	shalt  }
0x80: {  	_ =	shalt  }
0x81: {  	_ =	shalt  }
0x82: {  	_ =	shalt  }
0x83: {  	_ =	shalt  }
0x84: {  	_ =	shalt  }
0x85: {  	_ =	shalt  }
0x86: {  	_ =	shalt  }
0x87: {  	_ =	shalt  }
.Lfunc_end0:
.L_simem_size_0:
called_computation_lowered:
.L_overlay_start_0:
0x88: {  	s2 =	sld [smem:$0x3FD9]  }
0x89: {  	s3 =	sld [smem:$0x3FFE];
	_ =	sdelay $0x1  }
0x8a: {  	s1 =	srdreg.scid  }
0x8b: {  	s0 =	sand.u32 $0x1, s1  }
0x8c: {  	s17 =	sshll.u32 s0, $0xA;
	s2 =	sadd.s32 s3, s2  }
0x8d: {  	s2 =	sadd.s32 s2, s17  }
0x8e: {  	[smem:$0x3FC2] =	sst s2  }
0x8f: {  	_ = 	snop  }
0x90: {  	s2 =	sld [smem:$0x3FD0];
	(tm) =	ssettm $0x1  }
0x91: {  	s18 =	sld [smem:$0x3FFB];
	_ =	sdelay $0x3  }
0x92: {  	_ =	strace s18  }
0x93: {  	s3 =	sld [smem:$0x3FFC];
	_ =	sdelay $0x3  }
0x94: {  	_ =	strace s3  }
0x95: {  	s3 =	sld [smem:$0x3FFD];
	_ =	sdelay $0x3  }
0x96: {  	_ =	strace s3  }
0x97: {  	_ =	strace $0x8FFFFFFF  }
0x98: {  	s19 =	sld [smem:$0x3FDB];
	_ =	sdelay $0x1  }
0x99: {  	s4 =	simm.s32 $_scs_section_size  }
0x9a: {  	s5 =	simm.s32 $_size__tile_overlayer_lowered;
	s6 =	simm.s32 $_tile_overlayer_lowered  }
0x9b: {  	s22 =	simm.s32 $0x1BFF;
	s21 =	sshll.u32 s6, $0x1;
	s3 =	sadd.s32 s4, s19  }
0x9c: {  	s7 =	simm.s32 $0x0;
	s20 =	sshll.u32 s5, $0x1;
	s5 =	sadd.s32 s21, s3  }
0x9d: {  	[timem:s7], [sflag:s22] =	dma.local [hbm:s5], s20  }
0x9e: {  	_ =	swait.ge [sflag:s22], s20  }
0x9f: {  	s4 =	ssub.s32 $0x0, s20;
	[sflag:s22] =	ssyncset.done $0x0  }
0xa0: {  	[sflag:s22] =	ssyncadd.s32 s4;
	_ =	sdelay $0x1  }
0xa1: {  	s23 =	simm.s32 $0x1B8B  }
0xa2: {  	_ =	swait.ge [sflag:s23], $0x1  }
0xa3: {  	[sflag:s23] =	ssyncset.done $0x0  }
0xa4: {  	s25 =	simm.s32 $0x1B8E;
	s24 =	sld [smem:$0x3FFE];
	[sflag:s23] =	ssyncadd.s32 $0xFFFFFFFF  }
0xa5: {  	s26 =	simm.s32 $execute0_lowered;
	[smem:$0x3FD2] =	sst s25  }
0xa6: {  	s5 =	sshll.u32 s26, $0x1;
	_ =	strace $0x80000046;
	[dreg:$0x1] =	wrdreg $0xFFFFFFFF  }
0xa7: {  	s28 =	simm.s32 $_size_execute0_lowered;
	s3 =	sadd.s32 s3, s5;
	[dreg:$0x0] =	wrdreg $0x0  }
0xa8: {  	s5 =	sshll.u32 s28, $0x1;
	[dreg:$0x2] =	wrdreg s3  }
0xa9: {  	[dreg:$0x3] =	wrdreg s5  }
0xaa: {  	[dreg:$0x4] =	wrdreg $0xC0  }
0xab: {  	_ =	task [dreg:s7], $0x5FFFF  }
0xac: {  	[dreg:$0x1] =	wrdreg $0xFFFFFFFF  }
0xad: {  	[dreg:$0x0] =	wrdreg $0x60  }
0xae: {  	[dreg:$0x2] =	wrdreg s2  }
0xaf: {  	[dreg:$0x3] =	wrdreg s24  }
0xb0: {  	[dreg:$0x4] =	wrdreg $0x9  }
0xb1: {  	_ =	task.clear_ibuf [dreg:s7], $0x5FFFF;
	_ =	strace $0x90000046  }
0xb2: {  	s29 =	simm.s32 $0x9;
	_ =	strace $0x80000048  }
0xb3: {  	_ =	swait.ge [sflag:s29], $0x1  }
0xb4: {  	[sflag:s29] =	ssyncadd.s32 $0xFFFFFFFF  }
0xb5: {  	_ =	strace $0x90000048  }
0xb6: {  	_ =	sfence  }
0xb7: {  	s30 =	sld [smem:$0x0];
	_ =	sdelay $0x2  }
0xb8: {  	s31 =	sshll.u32 s1, $0xD;
	s1 =	sshrl.u32 s1, $0x2  }
0xb9: {  	s3 =	sand.u32 $0x4000, s31;
	s1 =	sadd.s32 s1, s30  }
0xba: {  	s0 =	sor.u32 s3, s0;
	s1 =	sshll.u32 s1, $0x11  }
0xbb: {  	s0 =	sor.u32 s1, s0  }
0xbc: {  	s0 =	sadd.s32 $0x8F2B, s0  }
0xbd: {  	[sflag:s0] =	ssyncadd.remote.s32 $0x1  }
0xbe: {  	_ =	sfence.sel $0xFFFF  }
0xbf: {  	[dreg:$0x0] =	wrdreg $0xFFFFFFFF;
	(pc) =	sbr.abs _section_cstart, $3  }
0xc0: {  	[dreg:$0x1] =	wrdreg $0xFFFFFFFF  }
0xc1: {  	_ =	task.clear_ibuf [dreg:s7], $0x2FFFF;
	_ =	strace $0x9FFFFFFF  }
0xc2: {  	(tm) =	ssettm $0x7FFFFFFF  }
0xc3: {  	_ =	shalt  }
tec
execute0_lowered:
.L_overlay_start_1:
0x0: {  	(tag) =	ssettag $0x1  }
0x1: {  	s1 =	srdreg.scid;
	s0 =	stileid.u32  }
0x2: {  	s2 =	rddreg [dreg:$0x0];
	s21 =	sand.u32 $0x1, s1;
	s31 =	sshll.u32 s0, $0x1  }
0x3: {  	s9 =	rddreg [dreg:$0x1];
	s10 =	sor.u32 s21, s31  }
0x4: {  	s3 =	simm.s32 $0x0;
	s1 =	rddreg [dreg:$0x2];
	s4 =	sshll.u32 s10, $0x7  }
0x5: {  	[smem:$0x7FF] =	sst s3;
	s4 =	sadd.s32 s4, s9  }
0x6: {  	_ =	strace $0x80000047;
	s5 =	sadd.s32 $0x1200, s4;
	s4 =	simm.s32 $0x2  }
0x7: {  	[tilespmem:s3], [sflag:$0x2] =	stream.linear.gather [hbm4b:s5+s3], $0x400, $0x38;
	[tilespmem:$0x2400] =	vst v63  }
0x8: {  	_ =	swait.ge [sflag:s4], $0x400  }
0x9: {  	s6 =	simm.s32 $0x80;
	[sflag:s4] =	ssyncset.done $0x0  }
0xa: {  	s7 =	simm.s32 $0x400;
	s8 =	simm.s32 $0x1;
	[sflag:s4] =	ssyncadd.s32 $0xFFFFFC00  }
0xb: {  	[tilespmem:s7], [sflag:$0x1] =	stream.indirect.gather [hbm4b:s2+s6], $0x40, s3, s6, $0xb8;
	[tilespmem:$0x2400] =	vst v63  }
0xc: {  	s10 =	sshll.u32 s10, $0xD;
	_ =	swait.ge [sflag:s8], $0x2000  }
0xd: {  	s22 =	sadd.s32 s10, s9;
	[sflag:s8] =	ssyncset.done $0x0  }
0xe: {  	s9 =	sadd.s32 $0x2200, s22;
	[sflag:s8] =	ssyncadd.s32 $0xFFFFE000  }
0xf: {  	[hbm4b:s9+s3] =	stream.linear.scatter [tilespmem:s7], [sflag:$0x2], $0x2000, $0x38;
	[tilespmem:$0x2400] =	vst v63  }
0x10: {  	_ =	swait.ge [sflag:s4], $0x2000  }
0x11: {  	[sflag:s4] =	ssyncset.done $0x0  }
0x12: {  	[sflag:s4] =	ssyncadd.s32 $0xFFFFE000  }
0x13: {  	[tilespmem:s7], [sflag:$0x1] =	stream.indirect.gather [hbm4b:s2+s6], $0x40, s6, s6, $0xb8;
	[tilespmem:$0x2400] =	vst v63  }
0x14: {  	_ =	swait.ge [sflag:s8], $0x2000  }
0x15: {  	[sflag:s8] =	ssyncset.done $0x0  }
0x16: {  	s10 =	sadd.s32 $0x2600, s22;
	[sflag:s8] =	ssyncadd.s32 $0xFFFFE000  }
0x17: {  	[hbm4b:s10+s3] =	stream.linear.scatter [tilespmem:s7], [sflag:$0x2], $0x2000, $0x38;
	[tilespmem:$0x2400] =	vst v63  }
0x18: {  	_ =	swait.ge [sflag:s4], $0x2000  }
0x19: {  	[sflag:s4] =	ssyncset.done $0x0  }
0x1a: {  	s11 =	simm.s32 $0x100;
	[sflag:s4] =	ssyncadd.s32 $0xFFFFE000  }
0x1b: {  	[tilespmem:s7], [sflag:$0x1] =	stream.indirect.gather [hbm4b:s2+s6], $0x40, s11, s6, $0xb8;
	[tilespmem:$0x2400] =	vst v63  }
0x1c: {  	_ =	swait.ge [sflag:s8], $0x2000  }
0x1d: {  	[sflag:s8] =	ssyncset.done $0x0  }
0x1e: {  	s12 =	sadd.s32 $0x2A00, s22;
	[sflag:s8] =	ssyncadd.s32 $0xFFFFE000  }
0x1f: {  	[hbm4b:s12+s3] =	stream.linear.scatter [tilespmem:s7], [sflag:$0x2], $0x2000, $0x38;
	[tilespmem:$0x2400] =	vst v63  }
0x20: {  	_ =	swait.ge [sflag:s4], $0x2000  }
0x21: {  	[sflag:s4] =	ssyncset.done $0x0  }
0x22: {  	s13 =	simm.s32 $0x180;
	[sflag:s4] =	ssyncadd.s32 $0xFFFFE000  }
0x23: {  	[tilespmem:s7], [sflag:$0x1] =	stream.indirect.gather [hbm4b:s2+s6], $0x40, s13, s6, $0xb8;
	[tilespmem:$0x2400] =	vst v63  }
0x24: {  	_ =	swait.ge [sflag:s8], $0x2000  }
0x25: {  	[sflag:s8] =	ssyncset.done $0x0  }
0x26: {  	s14 =	sadd.s32 $0x2E00, s22;
	[sflag:s8] =	ssyncadd.s32 $0xFFFFE000  }
0x27: {  	[hbm4b:s14+s3] =	stream.linear.scatter [tilespmem:s7], [sflag:$0x2], $0x2000, $0x38;
	[tilespmem:$0x2400] =	vst v63  }
0x28: {  	_ =	swait.ge [sflag:s4], $0x2000  }
0x29: {  	[sflag:s4] =	ssyncset.done $0x0  }
0x2a: {  	s15 =	simm.s32 $0x200;
	[sflag:s4] =	ssyncadd.s32 $0xFFFFE000  }
0x2b: {  	[tilespmem:s7], [sflag:$0x1] =	stream.indirect.gather [hbm4b:s2+s6], $0x40, s15, s6, $0xb8;
	[tilespmem:$0x2400] =	vst v63  }
0x2c: {  	_ =	swait.ge [sflag:s8], $0x2000  }
0x2d: {  	[sflag:s8] =	ssyncset.done $0x0  }
0x2e: {  	s16 =	sadd.s32 $0x3200, s22;
	[sflag:s8] =	ssyncadd.s32 $0xFFFFE000  }
0x2f: {  	[hbm4b:s16+s3] =	stream.linear.scatter [tilespmem:s7], [sflag:$0x2], $0x2000, $0x38;
	[tilespmem:$0x2400] =	vst v63  }
0x30: {  	_ =	swait.ge [sflag:s4], $0x2000  }
0x31: {  	[sflag:s4] =	ssyncset.done $0x0  }
0x32: {  	s17 =	simm.s32 $0x280;
	[sflag:s4] =	ssyncadd.s32 $0xFFFFE000  }
0x33: {  	[tilespmem:s7], [sflag:$0x1] =	stream.indirect.gather [hbm4b:s2+s6], $0x40, s17, s6, $0xb8;
	[tilespmem:$0x2400] =	vst v63  }
0x34: {  	_ =	swait.ge [sflag:s8], $0x2000  }
0x35: {  	[sflag:s8] =	ssyncset.done $0x0  }
0x36: {  	s18 =	sadd.s32 $0x3600, s22;
	[sflag:s8] =	ssyncadd.s32 $0xFFFFE000  }
0x37: {  	[hbm4b:s18+s3] =	stream.linear.scatter [tilespmem:s7], [sflag:$0x2], $0x2000, $0x38;
	[tilespmem:$0x2400] =	vst v63  }
0x38: {  	_ =	swait.ge [sflag:s4], $0x2000  }
0x39: {  	[sflag:s4] =	ssyncset.done $0x0  }
0x3a: {  	s19 =	simm.s32 $0x300;
	[sflag:s4] =	ssyncadd.s32 $0xFFFFE000  }
0x3b: {  	[tilespmem:s7], [sflag:$0x1] =	stream.indirect.gather [hbm4b:s2+s6], $0x40, s19, s6, $0xb8;
	[tilespmem:$0x2400] =	vst v63  }
0x3c: {  	_ =	swait.ge [sflag:s8], $0x2000  }
0x3d: {  	[sflag:s8] =	ssyncset.done $0x0  }
0x3e: {  	s23 =	ssub.s32 $0x2, s21;
	s20 =	sadd.s32 $0x3A00, s22;
	[sflag:s8] =	ssyncadd.s32 $0xFFFFE000  }
0x3f: {  	[hbm4b:s20+s3] =	stream.linear.scatter [tilespmem:s7], [sflag:$0x2], $0x2000, $0x38;
	[tilespmem:$0x2400] =	vst v63  }
0x40: {  	s24 =	sshrl.u32 s23, $0x1;
	_ =	swait.ge [sflag:s4], $0x2000  }
0x41: {  	s23 =	ssub.s32 s23, s24;
	[sflag:s4] =	ssyncset.done $0x0  }
0x42: {  	s21 =	simm.s32 $0x380;
	s23 =	smax.u32 s23, $0x1;
	[sflag:s4] =	ssyncadd.s32 $0xFFFFE000  }
0x43: {  	[tilespmem:s7], [sflag:$0x1] =	stream.indirect.gather [hbm4b:s2+s6], $0x40, s21, s6, $0xb8;
	[tilespmem:$0x2400] =	vst v63  }
0x44: {  	p0 =	sne.s32 s23, $0x1;
	_ =	swait.ge [sflag:s8], $0x2000  }
.Ltmp0:
0x45: {  	[sflag:s8] =	ssyncset.done $0x0;
	(pc) =	sbr.rel @!p0 .LBB2_2-.Ltmp0, $4  }
0x46: {  	s22 =	sadd.s32 $0x3E00, s22;
	[sflag:s8] =	ssyncadd.s32 $0xFFFFE000  }
0x47: {  	[hbm4b:s22+s3] =	stream.linear.scatter [tilespmem:s7], [sflag:$0x2], $0x2000, $0x38;
	[tilespmem:$0x2400] =	vst v63  }
0x48: {  	_ =	swait.ge [sflag:s4], $0x2000  }
0x49: {  	s23 =	sadd.s32 $0xFFFFFFFF, s23;
	[sflag:s4] =	ssyncset.done $0x0  }
.LBB2_1:
0x4a: {  	p0 =	sne.s32 s23, $0x1;
	s23 =	sadd.s32 $0xFFFFFFFF, s23;
	[sflag:s4] =	ssyncadd.s32 $0xFFFFE000  }
0x4b: {  	[tilespmem:s3], [sflag:$0x2] =	stream.linear.gather [hbm4b:s5+s3], $0x400, $0x38;
	[tilespmem:$0x2400] =	vst v63  }
0x4c: {  	_ =	swait.ge [sflag:s4], $0x400  }
0x4d: {  	[sflag:s4] =	ssyncset.done $0x0  }
0x4e: {  	[sflag:s4] =	ssyncadd.s32 $0xFFFFFC00  }
0x4f: {  	[tilespmem:s7], [sflag:$0x1] =	stream.indirect.gather [hbm4b:s2+s6], $0x40, s3, s6, $0xb8;
	[tilespmem:$0x2400] =	vst v63  }
0x50: {  	_ =	swait.ge [sflag:s8], $0x2000  }
0x51: {  	[sflag:s8] =	ssyncset.done $0x0  }
0x52: {  	[sflag:s8] =	ssyncadd.s32 $0xFFFFE000  }
0x53: {  	[hbm4b:s9+s3] =	stream.linear.scatter [tilespmem:s7], [sflag:$0x2], $0x2000, $0x38;
	[tilespmem:$0x2400] =	vst v63  }
0x54: {  	_ =	swait.ge [sflag:s4], $0x2000  }
0x55: {  	[sflag:s4] =	ssyncset.done $0x0  }
0x56: {  	[sflag:s4] =	ssyncadd.s32 $0xFFFFE000  }
0x57: {  	[tilespmem:s7], [sflag:$0x1] =	stream.indirect.gather [hbm4b:s2+s6], $0x40, s6, s6, $0xb8;
	[tilespmem:$0x2400] =	vst v63  }
0x58: {  	_ =	swait.ge [sflag:s8], $0x2000  }
0x59: {  	[sflag:s8] =	ssyncset.done $0x0  }
0x5a: {  	[sflag:s8] =	ssyncadd.s32 $0xFFFFE000  }
0x5b: {  	[hbm4b:s10+s3] =	stream.linear.scatter [tilespmem:s7], [sflag:$0x2], $0x2000, $0x38;
	[tilespmem:$0x2400] =	vst v63  }
0x5c: {  	_ =	swait.ge [sflag:s4], $0x2000  }
0x5d: {  	[sflag:s4] =	ssyncset.done $0x0  }
0x5e: {  	[sflag:s4] =	ssyncadd.s32 $0xFFFFE000  }
0x5f: {  	[tilespmem:s7], [sflag:$0x1] =	stream.indirect.gather [hbm4b:s2+s6], $0x40, s11, s6, $0xb8;
	[tilespmem:$0x2400] =	vst v63  }
0x60: {  	_ =	swait.ge [sflag:s8], $0x2000  }
0x61: {  	[sflag:s8] =	ssyncset.done $0x0  }
0x62: {  	[sflag:s8] =	ssyncadd.s32 $0xFFFFE000  }
0x63: {  	[hbm4b:s12+s3] =	stream.linear.scatter [tilespmem:s7], [sflag:$0x2], $0x2000, $0x38;
	[tilespmem:$0x2400] =	vst v63  }
0x64: {  	_ =	swait.ge [sflag:s4], $0x2000  }
0x65: {  	[sflag:s4] =	ssyncset.done $0x0  }
0x66: {  	[sflag:s4] =	ssyncadd.s32 $0xFFFFE000  }
0x67: {  	[tilespmem:s7], [sflag:$0x1] =	stream.indirect.gather [hbm4b:s2+s6], $0x40, s13, s6, $0xb8;
	[tilespmem:$0x2400] =	vst v63  }
0x68: {  	_ =	swait.ge [sflag:s8], $0x2000  }
0x69: {  	[sflag:s8] =	ssyncset.done $0x0  }
0x6a: {  	[sflag:s8] =	ssyncadd.s32 $0xFFFFE000  }
0x6b: {  	[hbm4b:s14+s3] =	stream.linear.scatter [tilespmem:s7], [sflag:$0x2], $0x2000, $0x38;
	[tilespmem:$0x2400] =	vst v63  }
0x6c: {  	_ =	swait.ge [sflag:s4], $0x2000  }
0x6d: {  	[sflag:s4] =	ssyncset.done $0x0  }
0x6e: {  	[sflag:s4] =	ssyncadd.s32 $0xFFFFE000  }
0x6f: {  	[tilespmem:s7], [sflag:$0x1] =	stream.indirect.gather [hbm4b:s2+s6], $0x40, s15, s6, $0xb8;
	[tilespmem:$0x2400] =	vst v63  }
0x70: {  	_ =	swait.ge [sflag:s8], $0x2000  }
0x71: {  	[sflag:s8] =	ssyncset.done $0x0  }
0x72: {  	[sflag:s8] =	ssyncadd.s32 $0xFFFFE000  }
0x73: {  	[hbm4b:s16+s3] =	stream.linear.scatter [tilespmem:s7], [sflag:$0x2], $0x2000, $0x38;
	[tilespmem:$0x2400] =	vst v63  }
0x74: {  	_ =	swait.ge [sflag:s4], $0x2000  }
0x75: {  	[sflag:s4] =	ssyncset.done $0x0  }
0x76: {  	[sflag:s4] =	ssyncadd.s32 $0xFFFFE000  }
0x77: {  	[tilespmem:s7], [sflag:$0x1] =	stream.indirect.gather [hbm4b:s2+s6], $0x40, s17, s6, $0xb8;
	[tilespmem:$0x2400] =	vst v63  }
0x78: {  	_ =	swait.ge [sflag:s8], $0x2000  }
0x79: {  	[sflag:s8] =	ssyncset.done $0x0  }
0x7a: {  	[sflag:s8] =	ssyncadd.s32 $0xFFFFE000  }
0x7b: {  	[hbm4b:s18+s3] =	stream.linear.scatter [tilespmem:s7], [sflag:$0x2], $0x2000, $0x38;
	[tilespmem:$0x2400] =	vst v63  }
0x7c: {  	_ =	swait.ge [sflag:s4], $0x2000  }
0x7d: {  	[sflag:s4] =	ssyncset.done $0x0  }
0x7e: {  	[sflag:s4] =	ssyncadd.s32 $0xFFFFE000  }
0x7f: {  	[tilespmem:s7], [sflag:$0x1] =	stream.indirect.gather [hbm4b:s2+s6], $0x40, s19, s6, $0xb8;
	[tilespmem:$0x2400] =	vst v63  }
0x80: {  	_ =	swait.ge [sflag:s8], $0x2000  }
0x81: {  	[sflag:s8] =	ssyncset.done $0x0  }
0x82: {  	[sflag:s8] =	ssyncadd.s32 $0xFFFFE000  }
0x83: {  	[hbm4b:s20+s3] =	stream.linear.scatter [tilespmem:s7], [sflag:$0x2], $0x2000, $0x38;
	[tilespmem:$0x2400] =	vst v63  }
0x84: {  	_ =	swait.ge [sflag:s4], $0x2000  }
0x85: {  	[sflag:s4] =	ssyncset.done $0x0  }
0x86: {  	[sflag:s4] =	ssyncadd.s32 $0xFFFFE000  }
0x87: {  	[tilespmem:s7], [sflag:$0x1] =	stream.indirect.gather [hbm4b:s2+s6], $0x40, s21, s6, $0xb8;
	[tilespmem:$0x2400] =	vst v63  }
0x88: {  	_ =	swait.ge [sflag:s8], $0x2000  }
.Ltmp1:
0x89: {  	[sflag:s8] =	ssyncset.done $0x0;
	(pc) =	sbr.rel @p0 .LBB2_1-.Ltmp1, $4  }
0x8a: {  	[sflag:s8] =	ssyncadd.s32 $0xFFFFE000  }
0x8b: {  	[hbm4b:s22+s3] =	stream.linear.scatter [tilespmem:s7], [sflag:$0x2], $0x2000, $0x38;
	[tilespmem:$0x2400] =	vst v63  }
0x8c: {  	_ =	swait.ge [sflag:s4], $0x2000  }
0x8d: {  	[sflag:s4] =	ssyncset.done $0x0  }
.LBB2_2:
0x8e: {  	[sflag:s4] =	ssyncadd.s32 $0xFFFFE000  }
0x8f: {  	_ =	sfence.sel $0x180000  }
0x90: {  	[bflag:$0x0] =	sbarrier.arrive $0xFFFF  }
0x91: {  	p0 =	sne.s32 s0, $0x0;
	_ =	strace $0x90000047  }
0x92: {  	s0 =	sadd.s32 @!p0 $0x100000, s1;
	[bflag:$0x2] =	sbarrier.arrive $0xFFFF  }
0x93: {  	[sflag:s0] =	ssyncadd.tile.s32 @!p0 $0x1;
	_ =	shalt  }
.Lfunc_end2:
_tile_overlayer_lowered:
.L_overlay_start_2:
0x94: {  	(tag) =	ssettag $0x2  }
0x95: {  	s0 =	rddreg [dreg:$0x0];
	s2 =	stileid.u32  }
0x96: {  	s1 =	rddreg [dreg:$0x1];
	p0 =	sne.s32 s2, $0x0  }
0x97: {  	s3 =	rddreg [dreg:$0x2];
	[bflag:$0x3] =	sbarrier.arrive $0xFFFF;
	s2 =	simm.s32 @!p0 $0x1C02  }
0x98: {  	[timem:s3], [sflag:s2] =	dma.local @!p0 [hbm:s0], s1  }
0x99: {  	s0 =	simm.s32 @!p0 $0x2  }
0x9a: {  	_ =	swait.ge @!p0 [sflag:s0], s1  }
0x9b: {  	s1 =	ssub.s32 @!p0 $0x0, s1;
	[sflag:s0] =	ssyncset.done @!p0 $0x0  }
0x9c: {  	[sflag:s0] =	ssyncadd.s32 @!p0 s1  }
0x9d: {  	[bflag:$0x3] =	sbarrier.arrive $0xFFFF  }
0x9e: {  	_ =	shalt  }

</sc_bundles>
